<compile_context>
chip_gen: v7x
topology: tpu7x:2x2x1
jax: 0.10.2.dev20260603
libtpu: 0.0.44.dev20260713+nightly
codegen_flags: <defaults>
</compile_context>

<pallas_src>
import functools

import jax
import jax.numpy as jnp
from jax import lax
from jax.experimental import pallas as pl
from jax.experimental.pallas import tpu as pltpu
from jax.experimental.pallas import tpu_sc as plsc

T, REPR, FEAT, HID, GATE, E, MOEH, ACT = 2048, 2048, 1024, 1024, 256, 16, 512, 12
BT = 128
NTT = T // BT
BTA = 512
NTA = T // BTA
BE = 128
NT = 48
NPAD = NT * BE
NA = 2 * T
H2 = HID // 2

_INTERPRET = False

_NC, _NS = 2, 16
_NW = _NC * _NS
_CHUNK = 64


def _stage_a_body(obs_ref, Wt_ref, bt_ref, lng_ref, lnb_ref, Wp1_ref, bp1_ref,
                  Wg1_ref, bg1_ref, Wg2_ref, bg2_ref,
                  x_ref, tv0_ref, tv1_ref, p_ref, et_ref, dt_ref, aux_ref,
                  carry0, carry1, sp_acc, ls_acc, i0_s, i1_s, r0_s, r1_s):
    i = pl.program_id(0)
    h = jnp.dot(obs_ref[...], Wt_ref[...], preferred_element_type=jnp.float32) + bt_ref[...]
    mu_ = jnp.mean(h, axis=-1, keepdims=True)
    var = jnp.mean((h - mu_) ** 2, axis=-1, keepdims=True)
    h = (h - mu_) * jax.lax.rsqrt(var + 1e-5) * lng_ref[...] + lnb_ref[...]
    h = jnp.tanh(h)

    x = jnp.maximum(jnp.dot(h, Wp1_ref[...], preferred_element_type=jnp.float32) + bp1_ref[...], 0.0)
    x_ref[...] = x

    gh = jnp.maximum(jnp.dot(x, Wg1_ref[...], preferred_element_type=jnp.float32) + bg1_ref[...], 0.0)
    logits = jnp.dot(gh, Wg2_ref[...], preferred_element_type=jnp.float32) + bg2_ref[...]

    m = jnp.max(logits, axis=-1, keepdims=True)
    ex = jnp.exp(logits - m)
    probs = ex / jnp.sum(ex, axis=-1, keepdims=True)

    iot = jax.lax.broadcasted_iota(jnp.int32, probs.shape, 1)
    m0 = jnp.max(probs, axis=-1, keepdims=True)
    i0 = jnp.argmax(probs, axis=-1).reshape(BTA, 1)
    masked = jnp.where(iot == i0, -1.0, probs)
    m1 = jnp.max(masked, axis=-1, keepdims=True)
    i1 = jnp.argmax(masked, axis=-1).reshape(BTA, 1)
    s = m0 + m1 + 1e-9
    tv0 = m0 / s
    tv1 = m1 / s
    tv0_ref[...] = tv0
    tv1_ref[...] = tv1

    g0 = (iot == i0).astype(jnp.float32)
    g1 = (iot == i1).astype(jnp.float32)
    ir = jax.lax.broadcasted_iota(jnp.int32, (BTA, BTA), 0)
    ic = jax.lax.broadcasted_iota(jnp.int32, (BTA, BTA), 1)
    st = (ic < ir).astype(jnp.float32)

    @pl.when(i == 0)
    def _():
        carry0[...] = jnp.zeros_like(carry0)
        carry1[...] = jnp.zeros_like(carry1)
        sp_acc[...] = jnp.zeros_like(sp_acc)
        ls_acc[...] = jnp.zeros_like(ls_acc)

    cum0 = jnp.dot(st, g0, preferred_element_type=jnp.float32) + carry0[...]
    cum1 = jnp.dot(st, g1, preferred_element_type=jnp.float32) + carry1[...]
    rows = pl.ds(i * BTA, BTA)
    i0_s[rows, :] = i0
    i1_s[rows, :] = i1
    r0_s[rows, :] = jnp.sum(g0 * cum0, axis=1, keepdims=True)
    r1_s[rows, :] = jnp.sum(g1 * cum1, axis=1, keepdims=True)
    carry0[...] += jnp.sum(g0, axis=0, keepdims=True)
    carry1[...] += jnp.sum(g1, axis=0, keepdims=True)

    sp_acc[...] += jnp.sum(probs, axis=0, keepdims=True)
    ls_acc[...] += jnp.sum(g0 * (tv0 > 0.0).astype(jnp.float32)
                           + g1 * (tv1 > 0.0).astype(jnp.float32), axis=0, keepdims=True)

    @pl.when(i == NTA - 1)
    def _():
        c0 = carry0[...]
        c1 = carry1[...]
        pc = jnp.ceil((c0 + c1) / BE) * BE
        fr = jax.lax.broadcasted_iota(jnp.int32, (E, E), 0)
        fc = jax.lax.broadcasted_iota(jnp.int32, (E, E), 1)
        mstrict = (fr < fc).astype(jnp.float32)
        offp = jnp.dot(pc, mstrict, preferred_element_type=jnp.float32)
        cum_end = offp + pc

        iota_e = jax.lax.broadcasted_iota(jnp.int32, (T, E), 1)
        oh0 = (iota_e == i0_s[...]).astype(jnp.float32)
        oh1 = (iota_e == i1_s[...]).astype(jnp.float32)
        p0 = jnp.sum(oh0 * offp, axis=1, keepdims=True) + r0_s[...]
        p1 = jnp.sum(oh1 * (offp + c0), axis=1, keepdims=True) + r1_s[...]
        p_ref[0:T, :] = p0.astype(jnp.int32)
        p_ref[T:NA, :] = p1.astype(jnp.int32)

        itn = jax.lax.broadcasted_iota(jnp.int32, (NT, E), 0).astype(jnp.float32)
        it = itn * BE
        et = jnp.sum((cum_end <= it).astype(jnp.float32), axis=1, keepdims=True)
        et_ref[...] = et.astype(jnp.int32)
        nact1 = jnp.sum(pc) / BE - 1.0
        dt_ref[...] = jnp.minimum(itn, nact1)[:, 0:1].astype(jnp.int32)

        aux_ref[...] = ((E / (T * float(T))) * jnp.sum(sp_acc[...] * ls_acc[...])).reshape(1, 1)


def _stage_a(obs, Wt, bt, ln_g, ln_b, Wp1, bp1, Wg1, bg1, Wg2, bg2):
    row = lambda v: v.reshape(1, -1)
    const = lambda i: (0, 0)
    tok = lambda i: (i, 0)
    return pl.pallas_call(
        _stage_a_body,
        grid=(NTA,),
        in_specs=[
            pl.BlockSpec((BTA, REPR), tok),
            pl.BlockSpec((REPR, FEAT), const),
            pl.BlockSpec((1, FEAT), const),
            pl.BlockSpec((1, FEAT), const),
            pl.BlockSpec((1, FEAT), const),
            pl.BlockSpec((FEAT, HID), const),
            pl.BlockSpec((1, HID), const),
            pl.BlockSpec((HID, GATE), const),
            pl.BlockSpec((1, GATE), const),
            pl.BlockSpec((GATE, E), const),
            pl.BlockSpec((1, E), const),
        ],
        out_specs=[
            pl.BlockSpec((BTA, HID), tok),
            pl.BlockSpec((BTA, 1), tok),
            pl.BlockSpec((BTA, 1), tok),
            pl.BlockSpec((NA, 1), const),
            pl.BlockSpec((NT, 1), const),
            pl.BlockSpec((NT, 1), const),
            pl.BlockSpec((1, 1), const),
        ],
        out_shape=[
            jax.ShapeDtypeStruct((T, HID), jnp.float32),
            jax.ShapeDtypeStruct((T, 1), jnp.float32),
            jax.ShapeDtypeStruct((T, 1), jnp.float32),
            jax.ShapeDtypeStruct((NA, 1), jnp.int32),
            jax.ShapeDtypeStruct((NT, 1), jnp.int32),
            jax.ShapeDtypeStruct((NT, 1), jnp.int32),
            jax.ShapeDtypeStruct((1, 1), jnp.float32),
        ],
        scratch_shapes=[pltpu.VMEM((1, E), jnp.float32)] * 4
        + [pltpu.VMEM((T, 1), jnp.int32)] * 2
        + [pltpu.VMEM((T, 1), jnp.float32)] * 2,
        interpret=_INTERPRET,
    )(obs, Wt, row(bt), row(ln_g), row(ln_b), Wp1, row(bp1), Wg1, row(bg1), Wg2, row(bg2))


def _sc_dispatch(x, p):
    @functools.partial(
        pl.kernel,
        mesh=plsc.VectorSubcoreMesh(core_axis_name="c", subcore_axis_name="s"),
        out_type=jax.ShapeDtypeStruct((NPAD, HID), jnp.float32),
        scratch_types=[
            pltpu.VMEM((_CHUNK,), jnp.int32),
            pltpu.VMEM((_CHUNK, HID), jnp.float32),
            pltpu.SemaphoreType.DMA,
        ],
    )
    def k(x_hbm, p_hbm, xs_hbm, idx_v, rows_v, sem):
        wid = lax.axis_index("s") * _NC + lax.axis_index("c")
        per_w = NA // _NW
        for c in range(per_w // _CHUNK):
            base = wid * per_w + c * _CHUNK
            tbase = jnp.where(base >= T, base - T, base)
            pltpu.sync_copy(p_hbm.at[pl.ds(base, _CHUNK)], idx_v)
            pltpu.sync_copy(x_hbm.at[pl.ds(tbase, _CHUNK)], rows_v)
            pltpu.async_copy(rows_v, xs_hbm.at[idx_v], sem).wait()

    return k(x, p)


def _sc_combine(ys, p):
    @functools.partial(
        pl.kernel,
        mesh=plsc.VectorSubcoreMesh(core_axis_name="c", subcore_axis_name="s"),
        out_type=jax.ShapeDtypeStruct((NA, HID), jnp.float32),
        scratch_types=[
            pltpu.VMEM((_CHUNK,), jnp.int32),
            pltpu.VMEM((_CHUNK, HID), jnp.float32),
            pltpu.SemaphoreType.DMA,
        ],
    )
    def k(ys_hbm, p_hbm, gy_hbm, idx_v, rows_v, sem):
        wid = lax.axis_index("s") * _NC + lax.axis_index("c")
        per_w = NA // _NW
        for c in range(per_w // _CHUNK):
            base = wid * per_w + c * _CHUNK
            pltpu.sync_copy(p_hbm.at[pl.ds(base, _CHUNK)], idx_v)
            pltpu.async_copy(ys_hbm.at[idx_v], rows_v, sem).wait()
            pltpu.sync_copy(rows_v, gy_hbm.at[pl.ds(base, _CHUNK)])

    return k(ys, p)


def _stage_c_body(et_sref, dt_sref, xs_ref, We1_ref, be1_ref, We2_ref, be2_ref, ys_ref):
    etv = et_sref[pl.program_id(0)]

    @pl.when(etv < E)
    def _():
        eh = jnp.maximum(jnp.dot(xs_ref[...], We1_ref[0], preferred_element_type=jnp.float32)
                         + be1_ref[0], 0.0)
        ys_ref[...] = jnp.dot(eh, We2_ref[0], preferred_element_type=jnp.float32) + be2_ref[0]


def _stage_c(et, dt, xs, We1, be1, We2, be2):
    wix = lambda i, et_ref, dt_ref: (jnp.minimum(et_ref[i], E - 1), 0, 0)
    dix = lambda i, et_ref, dt_ref: (dt_ref[i], 0)
    grid_spec = pltpu.PrefetchScalarGridSpec(
        num_scalar_prefetch=2,
        grid=(NT,),
        in_specs=[
            pl.BlockSpec((BE, HID), dix),
            pl.BlockSpec((1, HID, MOEH), wix),
            pl.BlockSpec((1, 1, MOEH), wix),
            pl.BlockSpec((1, MOEH, HID), wix),
            pl.BlockSpec((1, 1, HID), wix),
        ],
        out_specs=pl.BlockSpec((BE, HID), dix),
    )
    return pl.pallas_call(
        _stage_c_body,
        grid_spec=grid_spec,
        out_shape=jax.ShapeDtypeStruct((NPAD, HID), jnp.float32),
        interpret=_INTERPRET,
    )(et, dt, xs, We1, be1.reshape(E, 1, MOEH), We2, be2.reshape(E, 1, HID))


def _stage_d_body(gy_ref, tv0_ref, tv1_ref, Wp2_ref, bp2_ref, std_ref,
                  mu_ref, stdt_ref):
    y = tv0_ref[...] * gy_ref[0] + tv1_ref[...] * gy_ref[1]
    yr = jnp.maximum(y, 0.0)
    mu_ref[...] = jnp.tanh(jnp.dot(yr, Wp2_ref[...], preferred_element_type=jnp.float32) + bp2_ref[...])
    stdt_ref[...] = jnp.broadcast_to(std_ref[...], (BT, ACT))


def _stage_d(gy, tv0, tv1, Wp2, bp2, std):
    return pl.pallas_call(
        _stage_d_body,
        grid=(NTT,),
        in_specs=[
            pl.BlockSpec((2, BT, HID), lambda i: (0, i, 0)),
            pl.BlockSpec((BT, 1), lambda i: (i, 0)),
            pl.BlockSpec((BT, 1), lambda i: (i, 0)),
            pl.BlockSpec((HID, ACT), lambda i: (0, 0)),
            pl.BlockSpec((1, ACT), lambda i: (0, 0)),
            pl.BlockSpec((1, 1), lambda i: (0, 0)),
        ],
        out_specs=[
            pl.BlockSpec((BT, ACT), lambda i: (i, 0)),
            pl.BlockSpec((BT, ACT), lambda i: (i, 0)),
        ],
        out_shape=[
            jax.ShapeDtypeStruct((T, ACT), jnp.float32),
            jax.ShapeDtypeStruct((T, ACT), jnp.float32),
        ],
        interpret=_INTERPRET,
    )(gy, tv0, tv1, Wp2, bp2.reshape(1, ACT), std.reshape(1, 1))


def kernel(obs, std, Wt, bt, ln_g, ln_b, Wp1, bp1, Wg1, bg1, Wg2, bg2,
           We1, be1, We2, be2, Wp2, bp2):
    x, tv0, tv1, p, et, dt, aux = _stage_a(
        obs, Wt, bt, ln_g, ln_b, Wp1, bp1, Wg1, bg1, Wg2, bg2)
    xs = _sc_dispatch(x, p.reshape(NA))
    ys = _stage_c(et.reshape(NT), dt.reshape(NT), xs, We1, be1, We2, be2)
    gy = _sc_combine(ys, p.reshape(NA)).reshape(2, T, HID)
    mu, std_t = _stage_d(gy, tv0, tv1, Wp2, bp2, std)
    return (mu, std_t, aux[0, 0])

# --- scband reference (transcript-rebuilt; emitter-appended) ---
"""Pipeline reference for scband-actor-4191888081259 (READ-ONLY COPY).

The authoritative reference and input builder live on the scoring server;
editing this copy changes nothing except your own understanding.
"""

import jax, jax.numpy as jnp
import numpy as np

T = 2048      # tokens (batch of observations)
REPR = 2048   # repr_dim
FEAT = 1024   # feature_dim
HID = 1024    # hidden_dim (MoE input/output dim)
GATE = 256    # moe_gate_dim
MOEH = 512    # moe_hidden_dim
E = 16        # num_experts
K = 2         # top_k
ACT = 12      # action_shape[0]


def setup_inputs(seed: int = 0) -> dict:
    key = jax.random.key(seed)
    ks = jax.random.split(key, 12)

    def init(k, shape, fan_in):
        return jax.random.normal(k, shape, dtype=jnp.float32) / np.sqrt(fan_in)

    return {
        "obs": jax.random.normal(ks[0], (T, REPR), dtype=jnp.float32),
        "std": jnp.ones((1,), dtype=jnp.float32),
        "Wt": init(ks[1], (REPR, FEAT), REPR),
        "bt": jnp.zeros((FEAT,), dtype=jnp.float32),
        "ln_g": jnp.ones((FEAT,), dtype=jnp.float32),
        "ln_b": jnp.zeros((FEAT,), dtype=jnp.float32),
        "Wp1": init(ks[2], (FEAT, HID), FEAT),
        "bp1": jnp.zeros((HID,), dtype=jnp.float32),
        "Wg1": init(ks[3], (HID, GATE), HID),
        "bg1": jnp.zeros((GATE,), dtype=jnp.float32),
        "Wg2": init(ks[4], (GATE, E), GATE),
        "bg2": jnp.zeros((E,), dtype=jnp.float32),
        "We1": init(ks[5], (E, HID, MOEH), HID),
        "be1": jnp.zeros((E, MOEH), dtype=jnp.float32),
        "We2": init(ks[6], (E, MOEH, HID), MOEH),
        "be2": jnp.zeros((E, HID), dtype=jnp.float32),
        "Wp2": init(ks[7], (HID, ACT), HID),
        "bp2": jnp.zeros((ACT,), dtype=jnp.float32),
    }


def reference(obs, std, Wt, bt, ln_g, ln_b, Wp1, bp1, Wg1, bg1, Wg2, bg2,
              We1, be1, We2, be2, Wp2, bp2):
    # trunk: Linear -> LayerNorm -> Tanh
    h = obs @ Wt + bt
    mu_ = jnp.mean(h, axis=-1, keepdims=True)
    var = jnp.mean((h - mu_) ** 2, axis=-1, keepdims=True)
    h = (h - mu_) / jnp.sqrt(var + 1e-5) * ln_g + ln_b
    h = jnp.tanh(h)

    # policy1: Linear -> ReLU
    x = jax.nn.relu(h @ Wp1 + bp1)

    # MoE gate: 2-layer MLP over tokens -> expert logits -> softmax -> top-k
    gh = jax.nn.relu(x @ Wg1 + bg1)
    logits = gh @ Wg2 + bg2
    probs = jax.nn.softmax(logits, axis=-1)
    topv, topi = jax.lax.top_k(probs, K)
    topv = topv / (jnp.sum(topv, axis=-1, keepdims=True) + 1e-9)
    Tn = x.shape[0]
    gates = jnp.zeros((Tn, E), dtype=x.dtype).at[jnp.arange(Tn)[:, None], topi].set(topv)

    # experts: per-expert 2-layer MLP (computed densely, combined by sparse gates)
    eh = jax.nn.relu(jnp.einsum('td,edh->teh', x, We1) + be1[None, :, :])
    eo = jnp.einsum('teh,eho->teo', eh, We2) + be2[None, :, :]
    y = jnp.einsum('te,teo->to', gates, eo)

    # load-balancing aux loss
    importance = jnp.mean(probs, axis=0)
    load = jnp.mean((gates > 0).astype(jnp.float32), axis=0)
    aux_loss = E * jnp.sum(importance * load)

    # policy2: ReLU -> Linear, then tanh
    mu = jnp.tanh(jax.nn.relu(y) @ Wp2 + bp2)
    std_t = jnp.ones_like(mu) * std
    return (mu, std_t, aux_loss)

if __name__ == "__main__":
    import jax
    _d = setup_inputs()
    print(jax.jit(kernel)(*tuple(_d.values())))

</pallas_src>

<mosaic_0001>
#map = affine_map<(d0, d1) -> (0, 0)>
#map1 = affine_map<(d0, d1) -> (0)>
module attributes {stable_mosaic.version = 14 : i64} {
  func.func @k(%arg0: i32, %arg1: i32, %arg2: memref<6144x1024xf32, #tpu.memory_space<hbm>>, %arg3: memref<4096xi32, #tpu.memory_space<hbm>>, %arg4: memref<4096x1024xf32, #tpu.memory_space<hbm>>, %arg5: memref<64xi32, #tpu.memory_space<vmem>>, %arg6: memref<64x1024xf32, #tpu.memory_space<vmem>>, %arg7: memref<!tpu.dma_semaphore, #tpu.memory_space<semaphore_mem>>) attributes {dimension_semantics = [#tpu.dimension_semantics<core_parallel>, #tpu.dimension_semantics<subcore_parallel>], iteration_bounds = array<i64: 2, 16>, scalar_prefetch = 0 : i64, scratch_operands = 3 : i64, tpu.core_type = #tpu.core_type<sc_vector_subcore>, window_params = [{transform_indices = #map}, {transform_indices = #map1}, {transform_indices = #map}]} {
    %mul3A = arith.constant 2 : i32
    %mul3A_0 = arith.muli %arg1, %mul3A : i32
    %add3A = arith.addi %mul3A_0, %arg0 : i32
    %mul3A_1 = arith.constant 128 : i32
    %mul3A_2 = arith.muli %add3A, %mul3A_1 : i32
    %add3A_3 = arith.constant 0 : i32
    %add3A_4 = arith.addi %mul3A_2, %add3A_3 : i32
    "tpu.region"() ({
      %run_scoped3A = tpu.sem_alloc : memref<!tpu.dma_semaphore, #tpu.memory_space<semaphore_mem>>
      %dma_start3A_19 = tpu.memref_slice %arg3[%add3A_4] : memref<4096xi32, #tpu.memory_space<hbm>> -> memref<64xi32, #tpu.memory_space<hbm>>
      %dma_start3A_20 = tpu.memref_slice %arg3[%add3A_4] : memref<4096xi32, #tpu.memory_space<hbm>> -> memref<64xi32, #tpu.memory_space<hbm>>
      tpu.enqueue_dma source(%dma_start3A_20 : memref<64xi32, #tpu.memory_space<hbm>>) target(%arg5 : memref<64xi32, #tpu.memory_space<vmem>>) target_semaphore(%run_scoped3A : memref<!tpu.dma_semaphore, #tpu.memory_space<semaphore_mem>>)
      %dma_wait3A_21 = tpu.memref_slice %arg3[%add3A_4] : memref<4096xi32, #tpu.memory_space<hbm>> -> memref<64xi32, #tpu.memory_space<hbm>>
      %dma_wait3A_22 = tpu.memref_slice %arg3[%add3A_4] : memref<4096xi32, #tpu.memory_space<hbm>> -> memref<64xi32, #tpu.memory_space<hbm>>
      tpu.wait_dma2 semaphore(%run_scoped3A : memref<!tpu.dma_semaphore, #tpu.memory_space<semaphore_mem>>) src(%dma_wait3A_22 : memref<64xi32, #tpu.memory_space<hbm>>) dst(%arg5 : memref<64xi32, #tpu.memory_space<vmem>>)
      tpu.yield
    }) : () -> ()
    %dma_start3A = arith.constant 0 : i32
    %dma_start3A_5 = arith.constant 0 : i32
    %dma_start3A_6 = tpu.memref_slice %arg2[%dma_start3A, %dma_start3A_5] : memref<6144x1024xf32, #tpu.memory_space<hbm>> -> memref<6144x1024xf32, #tpu.memory_space<hbm>>
    tpu.enqueue_indirect_dma source(%dma_start3A_6 : memref<6144x1024xf32, #tpu.memory_space<hbm>>) target(%arg6 : memref<64x1024xf32, #tpu.memory_space<vmem>>) offsets(%arg5 : memref<64xi32, #tpu.memory_space<vmem>>) semaphore(%arg7 : memref<!tpu.dma_semaphore, #tpu.memory_space<semaphore_mem>>)
    %dma_wait3A = arith.constant 0 : i32
    %dma_wait3A_7 = arith.constant 0 : i32
    %dma_wait3A_8 = tpu.memref_slice %arg2[%dma_wait3A, %dma_wait3A_7] : memref<6144x1024xf32, #tpu.memory_space<hbm>> -> memref<6144x1024xf32, #tpu.memory_space<hbm>>
    tpu.wait_indirect_dma semaphore(%arg7 : memref<!tpu.dma_semaphore, #tpu.memory_space<semaphore_mem>>) src(%dma_wait3A_8 : memref<6144x1024xf32, #tpu.memory_space<hbm>>) dst(%arg6 : memref<64x1024xf32, #tpu.memory_space<vmem>>)
    "tpu.region"() ({
      %run_scoped3A = tpu.sem_alloc : memref<!tpu.dma_semaphore, #tpu.memory_space<semaphore_mem>>
      %dma_start3A_19 = arith.constant 0 : i32
      %dma_start3A_20 = tpu.memref_slice %arg4[%add3A_4, %dma_start3A_19] : memref<4096x1024xf32, #tpu.memory_space<hbm>> -> memref<64x1024xf32, #tpu.memory_space<hbm>>
      %dma_start3A_21 = arith.constant 0 : i32
      %dma_start3A_22 = tpu.memref_slice %arg4[%add3A_4, %dma_start3A_21] : memref<4096x1024xf32, #tpu.memory_space<hbm>> -> memref<64x1024xf32, #tpu.memory_space<hbm>>
      tpu.enqueue_dma source(%arg6 : memref<64x1024xf32, #tpu.memory_space<vmem>>) target(%dma_start3A_22 : memref<64x1024xf32, #tpu.memory_space<hbm>>) target_semaphore(%run_scoped3A : memref<!tpu.dma_semaphore, #tpu.memory_space<semaphore_mem>>)
      %dma_wait3A_23 = arith.constant 0 : i32
      %dma_wait3A_24 = tpu.memref_slice %arg4[%add3A_4, %dma_wait3A_23] : memref<4096x1024xf32, #tpu.memory_space<hbm>> -> memref<64x1024xf32, #tpu.memory_space<hbm>>
      %dma_wait3A_25 = arith.constant 0 : i32
      %dma_wait3A_26 = tpu.memref_slice %arg4[%add3A_4, %dma_wait3A_25] : memref<4096x1024xf32, #tpu.memory_space<hbm>> -> memref<64x1024xf32, #tpu.memory_space<hbm>>
      tpu.wait_dma2 semaphore(%run_scoped3A : memref<!tpu.dma_semaphore, #tpu.memory_space<semaphore_mem>>) src(%arg6 : memref<64x1024xf32, #tpu.memory_space<vmem>>) dst(%dma_wait3A_26 : memref<64x1024xf32, #tpu.memory_space<hbm>>)
      tpu.yield
    }) : () -> ()
    %mul3A_9 = arith.constant 128 : i32
    %mul3A_10 = arith.muli %add3A, %mul3A_9 : i32
    %add3A_11 = arith.constant 64 : i32
    %add3A_12 = arith.addi %mul3A_10, %add3A_11 : i32
    "tpu.region"() ({
      %run_scoped3A = tpu.sem_alloc : memref<!tpu.dma_semaphore, #tpu.memory_space<semaphore_mem>>
      %dma_start3A_19 = tpu.memref_slice %arg3[%add3A_12] : memref<4096xi32, #tpu.memory_space<hbm>> -> memref<64xi32, #tpu.memory_space<hbm>>
      %dma_start3A_20 = tpu.memref_slice %arg3[%add3A_12] : memref<4096xi32, #tpu.memory_space<hbm>> -> memref<64xi32, #tpu.memory_space<hbm>>
      tpu.enqueue_dma source(%dma_start3A_20 : memref<64xi32, #tpu.memory_space<hbm>>) target(%arg5 : memref<64xi32, #tpu.memory_space<vmem>>) target_semaphore(%run_scoped3A : memref<!tpu.dma_semaphore, #tpu.memory_space<semaphore_mem>>)
      %dma_wait3A_21 = tpu.memref_slice %arg3[%add3A_12] : memref<4096xi32, #tpu.memory_space<hbm>> -> memref<64xi32, #tpu.memory_space<hbm>>
      %dma_wait3A_22 = tpu.memref_slice %arg3[%add3A_12] : memref<4096xi32, #tpu.memory_space<hbm>> -> memref<64xi32, #tpu.memory_space<hbm>>
      tpu.wait_dma2 semaphore(%run_scoped3A : memref<!tpu.dma_semaphore, #tpu.memory_space<semaphore_mem>>) src(%dma_wait3A_22 : memref<64xi32, #tpu.memory_space<hbm>>) dst(%arg5 : memref<64xi32, #tpu.memory_space<vmem>>)
      tpu.yield
    }) : () -> ()
    %dma_start3A_13 = arith.constant 0 : i32
    %dma_start3A_14 = arith.constant 0 : i32
    %dma_start3A_15 = tpu.memref_slice %arg2[%dma_start3A_13, %dma_start3A_14] : memref<6144x1024xf32, #tpu.memory_space<hbm>> -> memref<6144x1024xf32, #tpu.memory_space<hbm>>
    tpu.enqueue_indirect_dma source(%dma_start3A_15 : memref<6144x1024xf32, #tpu.memory_space<hbm>>) target(%arg6 : memref<64x1024xf32, #tpu.memory_space<vmem>>) offsets(%arg5 : memref<64xi32, #tpu.memory_space<vmem>>) semaphore(%arg7 : memref<!tpu.dma_semaphore, #tpu.memory_space<semaphore_mem>>)
    %dma_wait3A_16 = arith.constant 0 : i32
    %dma_wait3A_17 = arith.constant 0 : i32
    %dma_wait3A_18 = tpu.memref_slice %arg2[%dma_wait3A_16, %dma_wait3A_17] : memref<6144x1024xf32, #tpu.memory_space<hbm>> -> memref<6144x1024xf32, #tpu.memory_space<hbm>>
    tpu.wait_indirect_dma semaphore(%arg7 : memref<!tpu.dma_semaphore, #tpu.memory_space<semaphore_mem>>) src(%dma_wait3A_18 : memref<6144x1024xf32, #tpu.memory_space<hbm>>) dst(%arg6 : memref<64x1024xf32, #tpu.memory_space<vmem>>)
    "tpu.region"() ({
      %run_scoped3A = tpu.sem_alloc : memref<!tpu.dma_semaphore, #tpu.memory_space<semaphore_mem>>
      %dma_start3A_19 = arith.constant 0 : i32
      %dma_start3A_20 = tpu.memref_slice %arg4[%add3A_12, %dma_start3A_19] : memref<4096x1024xf32, #tpu.memory_space<hbm>> -> memref<64x1024xf32, #tpu.memory_space<hbm>>
      %dma_start3A_21 = arith.constant 0 : i32
      %dma_start3A_22 = tpu.memref_slice %arg4[%add3A_12, %dma_start3A_21] : memref<4096x1024xf32, #tpu.memory_space<hbm>> -> memref<64x1024xf32, #tpu.memory_space<hbm>>
      tpu.enqueue_dma source(%arg6 : memref<64x1024xf32, #tpu.memory_space<vmem>>) target(%dma_start3A_22 : memref<64x1024xf32, #tpu.memory_space<hbm>>) target_semaphore(%run_scoped3A : memref<!tpu.dma_semaphore, #tpu.memory_space<semaphore_mem>>)
      %dma_wait3A_23 = arith.constant 0 : i32
      %dma_wait3A_24 = tpu.memref_slice %arg4[%add3A_12, %dma_wait3A_23] : memref<4096x1024xf32, #tpu.memory_space<hbm>> -> memref<64x1024xf32, #tpu.memory_space<hbm>>
      %dma_wait3A_25 = arith.constant 0 : i32
      %dma_wait3A_26 = tpu.memref_slice %arg4[%add3A_12, %dma_wait3A_25] : memref<4096x1024xf32, #tpu.memory_space<hbm>> -> memref<64x1024xf32, #tpu.memory_space<hbm>>
      tpu.wait_dma2 semaphore(%run_scoped3A : memref<!tpu.dma_semaphore, #tpu.memory_space<semaphore_mem>>) src(%arg6 : memref<64x1024xf32, #tpu.memory_space<vmem>>) dst(%dma_wait3A_26 : memref<64x1024xf32, #tpu.memory_space<hbm>>)
      tpu.yield
    }) : () -> ()
    return
  }
}

#map = affine_map<(d0, d1) -> (0, 0)>
#map1 = affine_map<(d0, d1) -> (0)>
module attributes {stable_mosaic.version = 14 : i64} {
  func.func @k(%arg0: i32, %arg1: i32, %arg2: memref<2048x1024xf32, #tpu.memory_space<hbm>>, %arg3: memref<4096xi32, #tpu.memory_space<hbm>>, %arg4: memref<6144x1024xf32, #tpu.memory_space<hbm>>, %arg5: memref<64xi32, #tpu.memory_space<vmem>>, %arg6: memref<64x1024xf32, #tpu.memory_space<vmem>>, %arg7: memref<!tpu.dma_semaphore, #tpu.memory_space<semaphore_mem>>) attributes {dimension_semantics = [#tpu.dimension_semantics<core_parallel>, #tpu.dimension_semantics<subcore_parallel>], iteration_bounds = array<i64: 2, 16>, scalar_prefetch = 0 : i64, scratch_operands = 3 : i64, tpu.core_type = #tpu.core_type<sc_vector_subcore>, window_params = [{transform_indices = #map}, {transform_indices = #map1}, {transform_indices = #map}]} {
    %mul3A = arith.constant 2 : i32
    %mul3A_0 = arith.muli %arg1, %mul3A : i32
    %add3A = arith.addi %mul3A_0, %arg0 : i32
    %mul3A_1 = arith.constant 128 : i32
    %mul3A_2 = arith.muli %add3A, %mul3A_1 : i32
    %add3A_3 = arith.constant 0 : i32
    %add3A_4 = arith.addi %mul3A_2, %add3A_3 : i32
    %ge3A = arith.constant 2048 : i32
    %ge3A_5 = arith.cmpi sge, %add3A_4, %ge3A : i32
    %sub3A = arith.constant 2048 : i32
    %sub3A_6 = arith.subi %add3A_4, %sub3A : i32
    %select_n3A = arith.select %ge3A_5, %sub3A_6, %add3A_4 : i32
    "tpu.region"() ({
      %run_scoped3A = tpu.sem_alloc : memref<!tpu.dma_semaphore, #tpu.memory_space<semaphore_mem>>
      %dma_start3A_26 = tpu.memref_slice %arg3[%add3A_4] : memref<4096xi32, #tpu.memory_space<hbm>> -> memref<64xi32, #tpu.memory_space<hbm>>
      %dma_start3A_27 = tpu.memref_slice %arg3[%add3A_4] : memref<4096xi32, #tpu.memory_space<hbm>> -> memref<64xi32, #tpu.memory_space<hbm>>
      tpu.enqueue_dma source(%dma_start3A_27 : memref<64xi32, #tpu.memory_space<hbm>>) target(%arg5 : memref<64xi32, #tpu.memory_space<vmem>>) target_semaphore(%run_scoped3A : memref<!tpu.dma_semaphore, #tpu.memory_space<semaphore_mem>>)
      %dma_wait3A_28 = tpu.memref_slice %arg3[%add3A_4] : memref<4096xi32, #tpu.memory_space<hbm>> -> memref<64xi32, #tpu.memory_space<hbm>>
      %dma_wait3A_29 = tpu.memref_slice %arg3[%add3A_4] : memref<4096xi32, #tpu.memory_space<hbm>> -> memref<64xi32, #tpu.memory_space<hbm>>
      tpu.wait_dma2 semaphore(%run_scoped3A : memref<!tpu.dma_semaphore, #tpu.memory_space<semaphore_mem>>) src(%dma_wait3A_29 : memref<64xi32, #tpu.memory_space<hbm>>) dst(%arg5 : memref<64xi32, #tpu.memory_space<vmem>>)
      tpu.yield
    }) : () -> ()
    "tpu.region"() ({
      %run_scoped3A = tpu.sem_alloc : memref<!tpu.dma_semaphore, #tpu.memory_space<semaphore_mem>>
      %dma_start3A_26 = arith.constant 0 : i32
      %dma_start3A_27 = tpu.memref_slice %arg2[%select_n3A, %dma_start3A_26] : memref<2048x1024xf32, #tpu.memory_space<hbm>> -> memref<64x1024xf32, #tpu.memory_space<hbm>>
      %dma_start3A_28 = arith.constant 0 : i32
      %dma_start3A_29 = tpu.memref_slice %arg2[%select_n3A, %dma_start3A_28] : memref<2048x1024xf32, #tpu.memory_space<hbm>> -> memref<64x1024xf32, #tpu.memory_space<hbm>>
      tpu.enqueue_dma source(%dma_start3A_29 : memref<64x1024xf32, #tpu.memory_space<hbm>>) target(%arg6 : memref<64x1024xf32, #tpu.memory_space<vmem>>) target_semaphore(%run_scoped3A : memref<!tpu.dma_semaphore, #tpu.memory_space<semaphore_mem>>)
      %dma_wait3A_30 = arith.constant 0 : i32
      %dma_wait3A_31 = tpu.memref_slice %arg2[%select_n3A, %dma_wait3A_30] : memref<2048x1024xf32, #tpu.memory_space<hbm>> -> memref<64x1024xf32, #tpu.memory_space<hbm>>
      %dma_wait3A_32 = arith.constant 0 : i32
      %dma_wait3A_33 = tpu.memref_slice %arg2[%select_n3A, %dma_wait3A_32] : memref<2048x1024xf32, #tpu.memory_space<hbm>> -> memref<64x1024xf32, #tpu.memory_space<hbm>>
      tpu.wait_dma2 semaphore(%run_scoped3A : memref<!tpu.dma_semaphore, #tpu.memory_space<semaphore_mem>>) src(%dma_wait3A_33 : memref<64x1024xf32, #tpu.memory_space<hbm>>) dst(%arg6 : memref<64x1024xf32, #tpu.memory_space<vmem>>)
      tpu.yield
    }) : () -> ()
    %dma_start3A = arith.constant 0 : i32
    %dma_start3A_7 = arith.constant 0 : i32
    %dma_start3A_8 = tpu.memref_slice %arg4[%dma_start3A, %dma_start3A_7] : memref<6144x1024xf32, #tpu.memory_space<hbm>> -> memref<6144x1024xf32, #tpu.memory_space<hbm>>
    tpu.enqueue_indirect_dma source(%arg6 : memref<64x1024xf32, #tpu.memory_space<vmem>>) target(%dma_start3A_8 : memref<6144x1024xf32, #tpu.memory_space<hbm>>) offsets(%arg5 : memref<64xi32, #tpu.memory_space<vmem>>) semaphore(%arg7 : memref<!tpu.dma_semaphore, #tpu.memory_space<semaphore_mem>>)
    %dma_wait3A = arith.constant 0 : i32
    %dma_wait3A_9 = arith.constant 0 : i32
    %dma_wait3A_10 = tpu.memref_slice %arg4[%dma_wait3A, %dma_wait3A_9] : memref<6144x1024xf32, #tpu.memory_space<hbm>> -> memref<6144x1024xf32, #tpu.memory_space<hbm>>
    tpu.wait_indirect_dma semaphore(%arg7 : memref<!tpu.dma_semaphore, #tpu.memory_space<semaphore_mem>>) src(%arg6 : memref<64x1024xf32, #tpu.memory_space<vmem>>) dst(%dma_wait3A_10 : memref<6144x1024xf32, #tpu.memory_space<hbm>>)
    %mul3A_11 = arith.constant 128 : i32
    %mul3A_12 = arith.muli %add3A, %mul3A_11 : i32
    %add3A_13 = arith.constant 64 : i32
    %add3A_14 = arith.addi %mul3A_12, %add3A_13 : i32
    %ge3A_15 = arith.constant 2048 : i32
    %ge3A_16 = arith.cmpi sge, %add3A_14, %ge3A_15 : i32
    %sub3A_17 = arith.constant 2048 : i32
    %sub3A_18 = arith.subi %add3A_14, %sub3A_17 : i32
    %select_n3A_19 = arith.select %ge3A_16, %sub3A_18, %add3A_14 : i32
    "tpu.region"() ({
      %run_scoped3A = tpu.sem_alloc : memref<!tpu.dma_semaphore, #tpu.memory_space<semaphore_mem>>
      %dma_start3A_26 = tpu.memref_slice %arg3[%add3A_14] : memref<4096xi32, #tpu.memory_space<hbm>> -> memref<64xi32, #tpu.memory_space<hbm>>
      %dma_start3A_27 = tpu.memref_slice %arg3[%add3A_14] : memref<4096xi32, #tpu.memory_space<hbm>> -> memref<64xi32, #tpu.memory_space<hbm>>
      tpu.enqueue_dma source(%dma_start3A_27 : memref<64xi32, #tpu.memory_space<hbm>>) target(%arg5 : memref<64xi32, #tpu.memory_space<vmem>>) target_semaphore(%run_scoped3A : memref<!tpu.dma_semaphore, #tpu.memory_space<semaphore_mem>>)
      %dma_wait3A_28 = tpu.memref_slice %arg3[%add3A_14] : memref<4096xi32, #tpu.memory_space<hbm>> -> memref<64xi32, #tpu.memory_space<hbm>>
      %dma_wait3A_29 = tpu.memref_slice %arg3[%add3A_14] : memref<4096xi32, #tpu.memory_space<hbm>> -> memref<64xi32, #tpu.memory_space<hbm>>
      tpu.wait_dma2 semaphore(%run_scoped3A : memref<!tpu.dma_semaphore, #tpu.memory_space<semaphore_mem>>) src(%dma_wait3A_29 : memref<64xi32, #tpu.memory_space<hbm>>) dst(%arg5 : memref<64xi32, #tpu.memory_space<vmem>>)
      tpu.yield
    }) : () -> ()
    "tpu.region"() ({
      %run_scoped3A = tpu.sem_alloc : memref<!tpu.dma_semaphore, #tpu.memory_space<semaphore_mem>>
      %dma_start3A_26 = arith.constant 0 : i32
      %dma_start3A_27 = tpu.memref_slice %arg2[%select_n3A_19, %dma_start3A_26] : memref<2048x1024xf32, #tpu.memory_space<hbm>> -> memref<64x1024xf32, #tpu.memory_space<hbm>>
      %dma_start3A_28 = arith.constant 0 : i32
      %dma_start3A_29 = tpu.memref_slice %arg2[%select_n3A_19, %dma_start3A_28] : memref<2048x1024xf32, #tpu.memory_space<hbm>> -> memref<64x1024xf32, #tpu.memory_space<hbm>>
      tpu.enqueue_dma source(%dma_start3A_29 : memref<64x1024xf32, #tpu.memory_space<hbm>>) target(%arg6 : memref<64x1024xf32, #tpu.memory_space<vmem>>) target_semaphore(%run_scoped3A : memref<!tpu.dma_semaphore, #tpu.memory_space<semaphore_mem>>)
      %dma_wait3A_30 = arith.constant 0 : i32
      %dma_wait3A_31 = tpu.memref_slice %arg2[%select_n3A_19, %dma_wait3A_30] : memref<2048x1024xf32, #tpu.memory_space<hbm>> -> memref<64x1024xf32, #tpu.memory_space<hbm>>
      %dma_wait3A_32 = arith.constant 0 : i32
      %dma_wait3A_33 = tpu.memref_slice %arg2[%select_n3A_19, %dma_wait3A_32] : memref<2048x1024xf32, #tpu.memory_space<hbm>> -> memref<64x1024xf32, #tpu.memory_space<hbm>>
      tpu.wait_dma2 semaphore(%run_scoped3A : memref<!tpu.dma_semaphore, #tpu.memory_space<semaphore_mem>>) src(%dma_wait3A_33 : memref<64x1024xf32, #tpu.memory_space<hbm>>) dst(%arg6 : memref<64x1024xf32, #tpu.memory_space<vmem>>)
      tpu.yield
    }) : () -> ()
    %dma_start3A_20 = arith.constant 0 : i32
    %dma_start3A_21 = arith.constant 0 : i32
    %dma_start3A_22 = tpu.memref_slice %arg4[%dma_start3A_20, %dma_start3A_21] : memref<6144x1024xf32, #tpu.memory_space<hbm>> -> memref<6144x1024xf32, #tpu.memory_space<hbm>>
    tpu.enqueue_indirect_dma source(%arg6 : memref<64x1024xf32, #tpu.memory_space<vmem>>) target(%dma_start3A_22 : memref<6144x1024xf32, #tpu.memory_space<hbm>>) offsets(%arg5 : memref<64xi32, #tpu.memory_space<vmem>>) semaphore(%arg7 : memref<!tpu.dma_semaphore, #tpu.memory_space<semaphore_mem>>)
    %dma_wait3A_23 = arith.constant 0 : i32
    %dma_wait3A_24 = arith.constant 0 : i32
    %dma_wait3A_25 = tpu.memref_slice %arg4[%dma_wait3A_23, %dma_wait3A_24] : memref<6144x1024xf32, #tpu.memory_space<hbm>> -> memref<6144x1024xf32, #tpu.memory_space<hbm>>
    tpu.wait_indirect_dma semaphore(%arg7 : memref<!tpu.dma_semaphore, #tpu.memory_space<semaphore_mem>>) src(%arg6 : memref<64x1024xf32, #tpu.memory_space<vmem>>) dst(%dma_wait3A_25 : memref<6144x1024xf32, #tpu.memory_space<hbm>>)
    return
  }
}

module attributes {stable_mosaic.version = 14 : i64} {
  func.func @_stage_a_body(%arg0: i32, %arg1: memref<512x2048xf32, #tpu.memory_space<vmem>>, %arg2: memref<2048x1024xf32, #tpu.memory_space<vmem>>, %arg3: memref<1x1024xf32, #tpu.memory_space<vmem>>, %arg4: memref<1x1024xf32, #tpu.memory_space<vmem>>, %arg5: memref<1x1024xf32, #tpu.memory_space<vmem>>, %arg6: memref<1024x1024xf32, #tpu.memory_space<vmem>>, %arg7: memref<1x1024xf32, #tpu.memory_space<vmem>>, %arg8: memref<1024x256xf32, #tpu.memory_space<vmem>>, %arg9: memref<1x256xf32, #tpu.memory_space<vmem>>, %arg10: memref<256x16xf32, #tpu.memory_space<vmem>>, %arg11: memref<1x16xf32, #tpu.memory_space<vmem>>, %arg12: memref<512x1024xf32, #tpu.memory_space<vmem>>, %arg13: memref<512x1xf32, #tpu.memory_space<vmem>>, %arg14: memref<512x1xf32, #tpu.memory_space<vmem>>, %arg15: memref<4096x1xi32, #tpu.memory_space<vmem>>, %arg16: memref<48x1xi32, #tpu.memory_space<vmem>>, %arg17: memref<48x1xi32, #tpu.memory_space<vmem>>, %arg18: memref<1x1xf32, #tpu.memory_space<vmem>>, %arg19: memref<1x16xf32, #tpu.memory_space<vmem>>, %arg20: memref<1x16xf32, #tpu.memory_space<vmem>>, %arg21: memref<1x16xf32, #tpu.memory_space<vmem>>, %arg22: memref<1x16xf32, #tpu.memory_space<vmem>>, %arg23: memref<2048x1xi32, #tpu.memory_space<vmem>>, %arg24: memref<2048x1xi32, #tpu.memory_space<vmem>>, %arg25: memref<2048x1xf32, #tpu.memory_space<vmem>>, %arg26: memref<2048x1xf32, #tpu.memory_space<vmem>>) attributes {dimension_semantics = [#tpu.dimension_semantics<arbitrary>], iteration_bounds = array<i64: 4>, scalar_prefetch = 0 : i64, scratch_operands = 8 : i64, tpu.core_type = #tpu.core_type<tc>, window_params = [{transform_indices = @transform_0, window_bounds = array<i64: 512, 2048>}, {pipeline_mode = #tpu.pipeline_mode<synchronous>, transform_indices = @transform_1, window_bounds = array<i64: 2048, 1024>}, {pipeline_mode = #tpu.pipeline_mode<synchronous>, transform_indices = @transform_2, window_bounds = array<i64: 1, 1024>}, {pipeline_mode = #tpu.pipeline_mode<synchronous>, transform_indices = @transform_3, window_bounds = array<i64: 1, 1024>}, {pipeline_mode = #tpu.pipeline_mode<synchronous>, transform_indices = @transform_4, window_bounds = array<i64: 1, 1024>}, {pipeline_mode = #tpu.pipeline_mode<synchronous>, transform_indices = @transform_5, window_bounds = array<i64: 1024, 1024>}, {pipeline_mode = #tpu.pipeline_mode<synchronous>, transform_indices = @transform_6, window_bounds = array<i64: 1, 1024>}, {pipeline_mode = #tpu.pipeline_mode<synchronous>, transform_indices = @transform_7, window_bounds = array<i64: 1024, 256>}, {pipeline_mode = #tpu.pipeline_mode<synchronous>, transform_indices = @transform_8, window_bounds = array<i64: 1, 256>}, {pipeline_mode = #tpu.pipeline_mode<synchronous>, transform_indices = @transform_9, window_bounds = array<i64: 256, 16>}, {pipeline_mode = #tpu.pipeline_mode<synchronous>, transform_indices = @transform_10, window_bounds = array<i64: 1, 16>}, {transform_indices = @transform_11, window_bounds = array<i64: 512, 1024>}, {transform_indices = @transform_12, window_bounds = array<i64: 512, 1>}, {transform_indices = @transform_13, window_bounds = array<i64: 512, 1>}, {pipeline_mode = #tpu.pipeline_mode<synchronous>, transform_indices = @transform_14, window_bounds = array<i64: 4096, 1>}, {pipeline_mode = #tpu.pipeline_mode<synchronous>, transform_indices = @transform_15, window_bounds = array<i64: 48, 1>}, {pipeline_mode = #tpu.pipeline_mode<synchronous>, transform_indices = @transform_16, window_bounds = array<i64: 48, 1>}, {pipeline_mode = #tpu.pipeline_mode<synchronous>, transform_indices = @transform_17, window_bounds = array<i64: 1, 1>}]} {
    %get3A = arith.constant 0 : index
    %get3A_0 = arith.constant 0 : index
    %get3A_1 = vector.load %arg1[%get3A, %get3A_0] : memref<512x2048xf32, #tpu.memory_space<vmem>>, vector<512x2048xf32>
    %get3A_2 = arith.constant 0 : index
    %get3A_3 = arith.constant 0 : index
    %get3A_4 = vector.load %arg2[%get3A_2, %get3A_3] : memref<2048x1024xf32, #tpu.memory_space<vmem>>, vector<2048x1024xf32>
    %dot_general3A = arith.constant dense<0.000000e+00> : vector<512x1024xf32>
    %dot_general3A_5 = tpu.matmul %get3A_1, %get3A_4, %dot_general3A {dimension_numbers = #tpu.dot_dimension_numbers<[1], [0], [0], [1], [0, 0, 1, 1], [], []>, transpose_lhs_hint = false} : vector<512x2048xf32>, vector<2048x1024xf32>, vector<512x1024xf32> -> vector<512x1024xf32>
    %get3A_6 = arith.constant 0 : index
    %get3A_7 = arith.constant 0 : index
    %get3A_8 = vector.load %arg3[%get3A_6, %get3A_7] : memref<1x1024xf32, #tpu.memory_space<vmem>>, vector<1x1024xf32>
    %add3A = vector.broadcast %get3A_8 : vector<1x1024xf32> to vector<512x1024xf32>
    %add3A_9 = arith.addf %dot_general3A_5, %add3A : vector<512x1024xf32>
    %reduce_sum3A = arith.constant dense<0.000000e+00> : vector<512xf32>
    %reduce_sum3A_10 = vector.multi_reduction <add>, %add3A_9, %reduce_sum3A [1] : vector<512x1024xf32> to vector<512xf32>
    %broadcast_in_dim3A = vector.shape_cast %reduce_sum3A_10 : vector<512xf32> to vector<512x1xf32>
    %div3A = arith.constant 1.024000e+03 : f32
    %div3A_11 = vector.broadcast %div3A : f32 to vector<512x1xf32>
    %div3A_12 = arith.divf %broadcast_in_dim3A, %div3A_11 : vector<512x1xf32>
    %sub3A = vector.broadcast %div3A_12 : vector<512x1xf32> to vector<512x1024xf32>
    %sub3A_13 = arith.subf %add3A_9, %sub3A : vector<512x1024xf32>
    %integer_pow3A = arith.mulf %sub3A_13, %sub3A_13 : vector<512x1024xf32>
    %reduce_sum3A_14 = arith.constant dense<0.000000e+00> : vector<512xf32>
    %reduce_sum3A_15 = vector.multi_reduction <add>, %integer_pow3A, %reduce_sum3A_14 [1] : vector<512x1024xf32> to vector<512xf32>
    %broadcast_in_dim3A_16 = vector.shape_cast %reduce_sum3A_15 : vector<512xf32> to vector<512x1xf32>
    %div3A_17 = arith.constant 1.024000e+03 : f32
    %div3A_18 = vector.broadcast %div3A_17 : f32 to vector<512x1xf32>
    %div3A_19 = arith.divf %broadcast_in_dim3A_16, %div3A_18 : vector<512x1xf32>
    %sub3A_20 = vector.broadcast %div3A_12 : vector<512x1xf32> to vector<512x1024xf32>
    %sub3A_21 = arith.subf %add3A_9, %sub3A_20 : vector<512x1024xf32>
    %add3A_22 = arith.constant 9.99999974E-6 : f32
    %add3A_23 = vector.broadcast %add3A_22 : f32 to vector<512x1xf32>
    %add3A_24 = arith.addf %div3A_19, %add3A_23 : vector<512x1xf32>
    %rsqrt3A = math.rsqrt %add3A_24 : vector<512x1xf32>
    %mul3A = vector.broadcast %rsqrt3A : vector<512x1xf32> to vector<512x1024xf32>
    %mul3A_25 = arith.mulf %sub3A_21, %mul3A : vector<512x1024xf32>
    %get3A_26 = arith.constant 0 : index
    %get3A_27 = arith.constant 0 : index
    %get3A_28 = vector.load %arg4[%get3A_26, %get3A_27] : memref<1x1024xf32, #tpu.memory_space<vmem>>, vector<1x1024xf32>
    %mul3A_29 = vector.broadcast %get3A_28 : vector<1x1024xf32> to vector<512x1024xf32>
    %mul3A_30 = arith.mulf %mul3A_25, %mul3A_29 : vector<512x1024xf32>
    %get3A_31 = arith.constant 0 : index
    %get3A_32 = arith.constant 0 : index
    %get3A_33 = vector.load %arg5[%get3A_31, %get3A_32] : memref<1x1024xf32, #tpu.memory_space<vmem>>, vector<1x1024xf32>
    %add3A_34 = vector.broadcast %get3A_33 : vector<1x1024xf32> to vector<512x1024xf32>
    %add3A_35 = arith.addf %mul3A_30, %add3A_34 : vector<512x1024xf32>
    %tanh3A = math.tanh %add3A_35 : vector<512x1024xf32>
    %get3A_36 = arith.constant 0 : index
    %get3A_37 = arith.constant 0 : index
    %get3A_38 = vector.load %arg6[%get3A_36, %get3A_37] : memref<1024x1024xf32, #tpu.memory_space<vmem>>, vector<1024x1024xf32>
    %dot_general3A_39 = arith.constant dense<0.000000e+00> : vector<512x1024xf32>
    %dot_general3A_40 = tpu.matmul %tanh3A, %get3A_38, %dot_general3A_39 {dimension_numbers = #tpu.dot_dimension_numbers<[1], [0], [0], [1], [0, 0, 1, 1], [], []>, transpose_lhs_hint = false} : vector<512x1024xf32>, vector<1024x1024xf32>, vector<512x1024xf32> -> vector<512x1024xf32>
    %get3A_41 = arith.constant 0 : index
    %get3A_42 = arith.constant 0 : index
    %get3A_43 = vector.load %arg7[%get3A_41, %get3A_42] : memref<1x1024xf32, #tpu.memory_space<vmem>>, vector<1x1024xf32>
    %add3A_44 = vector.broadcast %get3A_43 : vector<1x1024xf32> to vector<512x1024xf32>
    %add3A_45 = arith.addf %dot_general3A_40, %add3A_44 : vector<512x1024xf32>
    %max3A = arith.constant 0.000000e+00 : f32
    %max3A_46 = vector.broadcast %max3A : f32 to vector<512x1024xf32>
    %max3A_47 = arith.maximumf %add3A_45, %max3A_46 : vector<512x1024xf32>
    %swap3A = arith.constant 0 : index
    %swap3A_48 = arith.constant 0 : index
    %swap3A_49 = vector.load %arg12[%swap3A, %swap3A_48] : memref<512x1024xf32, #tpu.memory_space<vmem>>, vector<512x1024xf32>
    tpu.vector_store %arg12[%swap3A, %swap3A_48], %max3A_47 {strides = array<i32>} : memref<512x1024xf32, #tpu.memory_space<vmem>>, vector<512x1024xf32>,
    %get3A_50 = arith.constant 0 : index
    %get3A_51 = arith.constant 0 : index
    %get3A_52 = vector.load %arg8[%get3A_50, %get3A_51] : memref<1024x256xf32, #tpu.memory_space<vmem>>, vector<1024x256xf32>
    %dot_general3A_53 = arith.constant dense<0.000000e+00> : vector<512x256xf32>
    %dot_general3A_54 = tpu.matmul %max3A_47, %get3A_52, %dot_general3A_53 {dimension_numbers = #tpu.dot_dimension_numbers<[1], [0], [0], [1], [0, 0, 1, 1], [], []>, transpose_lhs_hint = false} : vector<512x1024xf32>, vector<1024x256xf32>, vector<512x256xf32> -> vector<512x256xf32>
    %get3A_55 = arith.constant 0 : index
    %get3A_56 = arith.constant 0 : index
    %get3A_57 = vector.load %arg9[%get3A_55, %get3A_56] : memref<1x256xf32, #tpu.memory_space<vmem>>, vector<1x256xf32>
    %add3A_58 = vector.broadcast %get3A_57 : vector<1x256xf32> to vector<512x256xf32>
    %add3A_59 = arith.addf %dot_general3A_54, %add3A_58 : vector<512x256xf32>
    %max3A_60 = arith.constant 0.000000e+00 : f32
    %max3A_61 = vector.broadcast %max3A_60 : f32 to vector<512x256xf32>
    %max3A_62 = arith.maximumf %add3A_59, %max3A_61 : vector<512x256xf32>
    %get3A_63 = arith.constant 0 : index
    %get3A_64 = arith.constant 0 : index
    %get3A_65 = vector.load %arg10[%get3A_63, %get3A_64] : memref<256x16xf32, #tpu.memory_space<vmem>>, vector<256x16xf32>
    %dot_general3A_66 = arith.constant dense<0.000000e+00> : vector<512x16xf32>
    %dot_general3A_67 = tpu.matmul %max3A_62, %get3A_65, %dot_general3A_66 {dimension_numbers = #tpu.dot_dimension_numbers<[1], [0], [0], [1], [0, 0, 1, 1], [], []>, transpose_lhs_hint = false} : vector<512x256xf32>, vector<256x16xf32>, vector<512x16xf32> -> vector<512x16xf32>
    %get3A_68 = arith.constant 0 : index
    %get3A_69 = arith.constant 0 : index
    %get3A_70 = vector.load %arg11[%get3A_68, %get3A_69] : memref<1x16xf32, #tpu.memory_space<vmem>>, vector<1x16xf32>
    %add3A_71 = vector.broadcast %get3A_70 : vector<1x16xf32> to vector<512x16xf32>
    %add3A_72 = arith.addf %dot_general3A_67, %add3A_71 : vector<512x16xf32>
    %reduce_max3A = arith.constant dense<0xFF800000> : vector<512xf32>
    %reduce_max3A_73 = vector.multi_reduction <maximumf>, %add3A_72, %reduce_max3A [1] : vector<512x16xf32> to vector<512xf32>
    %broadcast_in_dim3A_74 = vector.shape_cast %reduce_max3A_73 : vector<512xf32> to vector<512x1xf32>
    %sub3A_75 = vector.broadcast %broadcast_in_dim3A_74 : vector<512x1xf32> to vector<512x16xf32>
    %sub3A_76 = arith.subf %add3A_72, %sub3A_75 : vector<512x16xf32>
    %exp3A = math.exp %sub3A_76 : vector<512x16xf32>
    %reduce_sum3A_77 = arith.constant dense<0.000000e+00> : vector<512xf32>
    %reduce_sum3A_78 = vector.multi_reduction <add>, %exp3A, %reduce_sum3A_77 [1] : vector<512x16xf32> to vector<512xf32>
    %broadcast_in_dim3A_79 = vector.shape_cast %reduce_sum3A_78 : vector<512xf32> to vector<512x1xf32>
    %div3A_80 = vector.broadcast %broadcast_in_dim3A_79 : vector<512x1xf32> to vector<512x16xf32>
    %div3A_81 = arith.divf %exp3A, %div3A_80 : vector<512x16xf32>
    %iota3A = tpu.iota {dimensions = array<i32: 1>} : vector<512x16xi32>
    %reduce_max3A_82 = arith.constant dense<0xFF800000> : vector<512xf32>
    %reduce_max3A_83 = vector.multi_reduction <maximumf>, %div3A_81, %reduce_max3A_82 [1] : vector<512x16xf32> to vector<512xf32>
    %broadcast_in_dim3A_84 = vector.shape_cast %reduce_max3A_83 : vector<512xf32> to vector<512x1xf32>
    %argmax3A = tpu.reduce_index %div3A_81 {axis = 1 : i32, kind = #tpu.reduction_kind<arg_max>} : vector<512x16xf32> -> vector<512xi32>
    %reshape3A = vector.shape_cast %argmax3A : vector<512xi32> to vector<512x1xi32>
    %eq3A = vector.broadcast %reshape3A : vector<512x1xi32> to vector<512x16xi32>
    %eq3A_85 = arith.cmpi eq, %iota3A, %eq3A : vector<512x16xi32>
    %jit3A = arith.constant -1.000000e+00 : f32
    %broadcast_in_dim3A_86 = vector.broadcast %jit3A : f32 to vector<512x16xf32>
    %select_n3A = arith.select %eq3A_85, %broadcast_in_dim3A_86, %div3A_81 : vector<512x16xi1>, vector<512x16xf32>
    %reduce_max3A_87 = arith.constant dense<0xFF800000> : vector<512xf32>
    %reduce_max3A_88 = vector.multi_reduction <maximumf>, %select_n3A, %reduce_max3A_87 [1] : vector<512x16xf32> to vector<512xf32>
    %broadcast_in_dim3A_89 = vector.shape_cast %reduce_max3A_88 : vector<512xf32> to vector<512x1xf32>
    %argmax3A_90 = tpu.reduce_index %select_n3A {axis = 1 : i32, kind = #tpu.reduction_kind<arg_max>} : vector<512x16xf32> -> vector<512xi32>
    %reshape3A_91 = vector.shape_cast %argmax3A_90 : vector<512xi32> to vector<512x1xi32>
    %add3A_92 = arith.addf %broadcast_in_dim3A_84, %broadcast_in_dim3A_89 : vector<512x1xf32>
    %add3A_93 = arith.constant 9.99999971E-10 : f32
    %add3A_94 = vector.broadcast %add3A_93 : f32 to vector<512x1xf32>
    %add3A_95 = arith.addf %add3A_92, %add3A_94 : vector<512x1xf32>
    %div3A_96 = arith.divf %broadcast_in_dim3A_84, %add3A_95 : vector<512x1xf32>
    %div3A_97 = arith.divf %broadcast_in_dim3A_89, %add3A_95 : vector<512x1xf32>
    %swap3A_98 = arith.constant 0 : index
    %swap3A_99 = arith.constant 0 : index
    %swap3A_100 = vector.load %arg13[%swap3A_98, %swap3A_99] : memref<512x1xf32, #tpu.memory_space<vmem>>, vector<512x1xf32>
    tpu.vector_store %arg13[%swap3A_98, %swap3A_99], %div3A_96 {strides = array<i32>} : memref<512x1xf32, #tpu.memory_space<vmem>>, vector<512x1xf32>,
    %swap3A_101 = arith.constant 0 : index
    %swap3A_102 = arith.constant 0 : index
    %swap3A_103 = vector.load %arg14[%swap3A_101, %swap3A_102] : memref<512x1xf32, #tpu.memory_space<vmem>>, vector<512x1xf32>
    tpu.vector_store %arg14[%swap3A_101, %swap3A_102], %div3A_97 {strides = array<i32>} : memref<512x1xf32, #tpu.memory_space<vmem>>, vector<512x1xf32>,
    %eq3A_104 = vector.broadcast %reshape3A : vector<512x1xi32> to vector<512x16xi32>
    %eq3A_105 = arith.cmpi eq, %iota3A, %eq3A_104 : vector<512x16xi32>
    %convert_element_type3A = arith.extui %eq3A_105 : vector<512x16xi1> to vector<512x16xi32>
    %convert_element_type3A_106 = arith.sitofp %convert_element_type3A : vector<512x16xi32> to vector<512x16xf32>
    %eq3A_107 = vector.broadcast %reshape3A_91 : vector<512x1xi32> to vector<512x16xi32>
    %eq3A_108 = arith.cmpi eq, %iota3A, %eq3A_107 : vector<512x16xi32>
    %convert_element_type3A_109 = arith.extui %eq3A_108 : vector<512x16xi1> to vector<512x16xi32>
    %convert_element_type3A_110 = arith.sitofp %convert_element_type3A_109 : vector<512x16xi32> to vector<512x16xf32>
    %iota3A_111 = tpu.iota {dimensions = array<i32: 0>} : vector<512x512xi32>
    %iota3A_112 = tpu.iota {dimensions = array<i32: 1>} : vector<512x512xi32>
    %lt3A = arith.cmpi slt, %iota3A_112, %iota3A_111 : vector<512x512xi32>
    %convert_element_type3A_113 = arith.extui %lt3A : vector<512x512xi1> to vector<512x512xi32>
    %convert_element_type3A_114 = arith.sitofp %convert_element_type3A_113 : vector<512x512xi32> to vector<512x512xf32>
    %eq3A_115 = arith.constant 0 : i32
    %eq3A_116 = arith.cmpi eq, %arg0, %eq3A_115 : i32
    %convert_element_type3A_117 = arith.extui %eq3A_116 : i1 to i32
    %cond3A = arith.constant 0 : i32
    %cond3A_118 = arith.cmpi ne, %convert_element_type3A_117, %cond3A : i32
    scf.if %cond3A_118 {
      %broadcast_in_dim3A_214 = arith.constant 0.000000e+00 : f32
      %broadcast_in_dim3A_215 = vector.broadcast %broadcast_in_dim3A_214 : f32 to vector<1x16xf32>
      %swap3A_216 = arith.constant 0 : index
      %swap3A_217 = arith.constant 0 : index
      %swap3A_218 = vector.load %arg19[%swap3A_216, %swap3A_217] : memref<1x16xf32, #tpu.memory_space<vmem>>, vector<1x16xf32>
      tpu.vector_store %arg19[%swap3A_216, %swap3A_217], %broadcast_in_dim3A_215 {strides = array<i32>} : memref<1x16xf32, #tpu.memory_space<vmem>>, vector<1x16xf32>,
      %broadcast_in_dim3A_219 = arith.constant 0.000000e+00 : f32
      %broadcast_in_dim3A_220 = vector.broadcast %broadcast_in_dim3A_219 : f32 to vector<1x16xf32>
      %swap3A_221 = arith.constant 0 : index
      %swap3A_222 = arith.constant 0 : index
      %swap3A_223 = vector.load %arg20[%swap3A_221, %swap3A_222] : memref<1x16xf32, #tpu.memory_space<vmem>>, vector<1x16xf32>
      tpu.vector_store %arg20[%swap3A_221, %swap3A_222], %broadcast_in_dim3A_220 {strides = array<i32>} : memref<1x16xf32, #tpu.memory_space<vmem>>, vector<1x16xf32>,
      %broadcast_in_dim3A_224 = arith.constant 0.000000e+00 : f32
      %broadcast_in_dim3A_225 = vector.broadcast %broadcast_in_dim3A_224 : f32 to vector<1x16xf32>
      %swap3A_226 = arith.constant 0 : index
      %swap3A_227 = arith.constant 0 : index
      %swap3A_228 = vector.load %arg21[%swap3A_226, %swap3A_227] : memref<1x16xf32, #tpu.memory_space<vmem>>, vector<1x16xf32>
      tpu.vector_store %arg21[%swap3A_226, %swap3A_227], %broadcast_in_dim3A_225 {strides = array<i32>} : memref<1x16xf32, #tpu.memory_space<vmem>>, vector<1x16xf32>,
      %broadcast_in_dim3A_229 = arith.constant 0.000000e+00 : f32
      %broadcast_in_dim3A_230 = vector.broadcast %broadcast_in_dim3A_229 : f32 to vector<1x16xf32>
      %swap3A_231 = arith.constant 0 : index
      %swap3A_232 = arith.constant 0 : index
      %swap3A_233 = vector.load %arg22[%swap3A_231, %swap3A_232] : memref<1x16xf32, #tpu.memory_space<vmem>>, vector<1x16xf32>
      tpu.vector_store %arg22[%swap3A_231, %swap3A_232], %broadcast_in_dim3A_230 {strides = array<i32>} : memref<1x16xf32, #tpu.memory_space<vmem>>, vector<1x16xf32>,
    } else {
    }
    %dot_general3A_119 = arith.constant dense<0.000000e+00> : vector<512x16xf32>
    %dot_general3A_120 = tpu.matmul %convert_element_type3A_114, %convert_element_type3A_106, %dot_general3A_119 {dimension_numbers = #tpu.dot_dimension_numbers<[1], [0], [0], [1], [0, 0, 1, 1], [], []>, transpose_lhs_hint = false} : vector<512x512xf32>, vector<512x16xf32>, vector<512x16xf32> -> vector<512x16xf32>
    %get3A_121 = arith.constant 0 : index
    %get3A_122 = arith.constant 0 : index
    %get3A_123 = vector.load %arg19[%get3A_121, %get3A_122] : memref<1x16xf32, #tpu.memory_space<vmem>>, vector<1x16xf32>
    %add3A_124 = vector.broadcast %get3A_123 : vector<1x16xf32> to vector<512x16xf32>
    %add3A_125 = arith.addf %dot_general3A_120, %add3A_124 : vector<512x16xf32>
    %dot_general3A_126 = arith.constant dense<0.000000e+00> : vector<512x16xf32>
    %dot_general3A_127 = tpu.matmul %convert_element_type3A_114, %convert_element_type3A_110, %dot_general3A_126 {dimension_numbers = #tpu.dot_dimension_numbers<[1], [0], [0], [1], [0, 0, 1, 1], [], []>, transpose_lhs_hint = false} : vector<512x512xf32>, vector<512x16xf32>, vector<512x16xf32> -> vector<512x16xf32>
    %get3A_128 = arith.constant 0 : index
    %get3A_129 = arith.constant 0 : index
    %get3A_130 = vector.load %arg20[%get3A_128, %get3A_129] : memref<1x16xf32, #tpu.memory_space<vmem>>, vector<1x16xf32>
    %add3A_131 = vector.broadcast %get3A_130 : vector<1x16xf32> to vector<512x16xf32>
    %add3A_132 = arith.addf %dot_general3A_127, %add3A_131 : vector<512x16xf32>
    %mul3A_133 = arith.constant 512 : i32
    %mul3A_134 = arith.muli %arg0, %mul3A_133 : i32
    %swap3A_135 = arith.index_cast %mul3A_134 : i32 to index
    %swap3A_136 = arith.constant 0 : index
    %swap3A_137 = vector.load %arg23[%swap3A_135, %swap3A_136] : memref<2048x1xi32, #tpu.memory_space<vmem>>, vector<512x1xi32>
    tpu.vector_store %arg23[%swap3A_135, %swap3A_136], %reshape3A {strides = array<i32>} : memref<2048x1xi32, #tpu.memory_space<vmem>>, vector<512x1xi32>,
    %swap3A_138 = arith.index_cast %mul3A_134 : i32 to index
    %swap3A_139 = arith.constant 0 : index
    %swap3A_140 = vector.load %arg24[%swap3A_138, %swap3A_139] : memref<2048x1xi32, #tpu.memory_space<vmem>>, vector<512x1xi32>
    tpu.vector_store %arg24[%swap3A_138, %swap3A_139], %reshape3A_91 {strides = array<i32>} : memref<2048x1xi32, #tpu.memory_space<vmem>>, vector<512x1xi32>,
    %mul3A_141 = arith.mulf %convert_element_type3A_106, %add3A_125 : vector<512x16xf32>
    %reduce_sum3A_142 = arith.constant dense<0.000000e+00> : vector<512xf32>
    %reduce_sum3A_143 = vector.multi_reduction <add>, %mul3A_141, %reduce_sum3A_142 [1] : vector<512x16xf32> to vector<512xf32>
    %broadcast_in_dim3A_144 = vector.shape_cast %reduce_sum3A_143 : vector<512xf32> to vector<512x1xf32>
    %swap3A_145 = arith.index_cast %mul3A_134 : i32 to index
    %swap3A_146 = arith.constant 0 : index
    %swap3A_147 = vector.load %arg25[%swap3A_145, %swap3A_146] : memref<2048x1xf32, #tpu.memory_space<vmem>>, vector<512x1xf32>
    tpu.vector_store %arg25[%swap3A_145, %swap3A_146], %broadcast_in_dim3A_144 {strides = array<i32>} : memref<2048x1xf32, #tpu.memory_space<vmem>>, vector<512x1xf32>,
    %mul3A_148 = arith.mulf %convert_element_type3A_110, %add3A_132 : vector<512x16xf32>
    %reduce_sum3A_149 = arith.constant dense<0.000000e+00> : vector<512xf32>
    %reduce_sum3A_150 = vector.multi_reduction <add>, %mul3A_148, %reduce_sum3A_149 [1] : vector<512x16xf32> to vector<512xf32>
    %broadcast_in_dim3A_151 = vector.shape_cast %reduce_sum3A_150 : vector<512xf32> to vector<512x1xf32>
    %swap3A_152 = arith.index_cast %mul3A_134 : i32 to index
    %swap3A_153 = arith.constant 0 : index
    %swap3A_154 = vector.load %arg26[%swap3A_152, %swap3A_153] : memref<2048x1xf32, #tpu.memory_space<vmem>>, vector<512x1xf32>
    tpu.vector_store %arg26[%swap3A_152, %swap3A_153], %broadcast_in_dim3A_151 {strides = array<i32>} : memref<2048x1xf32, #tpu.memory_space<vmem>>, vector<512x1xf32>,
    %get3A_155 = arith.constant 0 : index
    %get3A_156 = arith.constant 0 : index
    %get3A_157 = vector.load %arg19[%get3A_155, %get3A_156] : memref<1x16xf32, #tpu.memory_space<vmem>>, vector<1x16xf32>
    %reduce_sum3A_158 = arith.constant dense<0.000000e+00> : vector<16xf32>
    %reduce_sum3A_159 = vector.multi_reduction <add>, %convert_element_type3A_106, %reduce_sum3A_158 [0] : vector<512x16xf32> to vector<16xf32>
    %broadcast_in_dim3A_160 = vector.shape_cast %reduce_sum3A_159 : vector<16xf32> to vector<1x16xf32>
    %add3A_161 = arith.addf %get3A_157, %broadcast_in_dim3A_160 : vector<1x16xf32>
    %swap3A_162 = arith.constant 0 : index
    %swap3A_163 = arith.constant 0 : index
    %swap3A_164 = vector.load %arg19[%swap3A_162, %swap3A_163] : memref<1x16xf32, #tpu.memory_space<vmem>>, vector<1x16xf32>
    tpu.vector_store %arg19[%swap3A_162, %swap3A_163], %add3A_161 {strides = array<i32>} : memref<1x16xf32, #tpu.memory_space<vmem>>, vector<1x16xf32>,
    %get3A_165 = arith.constant 0 : index
    %get3A_166 = arith.constant 0 : index
    %get3A_167 = vector.load %arg20[%get3A_165, %get3A_166] : memref<1x16xf32, #tpu.memory_space<vmem>>, vector<1x16xf32>
    %reduce_sum3A_168 = arith.constant dense<0.000000e+00> : vector<16xf32>
    %reduce_sum3A_169 = vector.multi_reduction <add>, %convert_element_type3A_110, %reduce_sum3A_168 [0] : vector<512x16xf32> to vector<16xf32>
    %broadcast_in_dim3A_170 = vector.shape_cast %reduce_sum3A_169 : vector<16xf32> to vector<1x16xf32>
    %add3A_171 = arith.addf %get3A_167, %broadcast_in_dim3A_170 : vector<1x16xf32>
    %swap3A_172 = arith.constant 0 : index
    %swap3A_173 = arith.constant 0 : index
    %swap3A_174 = vector.load %arg20[%swap3A_172, %swap3A_173] : memref<1x16xf32, #tpu.memory_space<vmem>>, vector<1x16xf32>
    tpu.vector_store %arg20[%swap3A_172, %swap3A_173], %add3A_171 {strides = array<i32>} : memref<1x16xf32, #tpu.memory_space<vmem>>, vector<1x16xf32>,
    %get3A_175 = arith.constant 0 : index
    %get3A_176 = arith.constant 0 : index
    %get3A_177 = vector.load %arg21[%get3A_175, %get3A_176] : memref<1x16xf32, #tpu.memory_space<vmem>>, vector<1x16xf32>
    %reduce_sum3A_178 = arith.constant dense<0.000000e+00> : vector<16xf32>
    %reduce_sum3A_179 = vector.multi_reduction <add>, %div3A_81, %reduce_sum3A_178 [0] : vector<512x16xf32> to vector<16xf32>
    %broadcast_in_dim3A_180 = vector.shape_cast %reduce_sum3A_179 : vector<16xf32> to vector<1x16xf32>
    %add3A_181 = arith.addf %get3A_177, %broadcast_in_dim3A_180 : vector<1x16xf32>
    %swap3A_182 = arith.constant 0 : index
    %swap3A_183 = arith.constant 0 : index
    %swap3A_184 = vector.load %arg21[%swap3A_182, %swap3A_183] : memref<1x16xf32, #tpu.memory_space<vmem>>, vector<1x16xf32>
    tpu.vector_store %arg21[%swap3A_182, %swap3A_183], %add3A_181 {strides = array<i32>} : memref<1x16xf32, #tpu.memory_space<vmem>>, vector<1x16xf32>,
    %get3A_185 = arith.constant 0 : index
    %get3A_186 = arith.constant 0 : index
    %get3A_187 = vector.load %arg22[%get3A_185, %get3A_186] : memref<1x16xf32, #tpu.memory_space<vmem>>, vector<1x16xf32>
    %gt3A = arith.constant 0.000000e+00 : f32
    %gt3A_188 = vector.broadcast %gt3A : f32 to vector<512x1xf32>
    %gt3A_189 = arith.cmpf ogt, %div3A_96, %gt3A_188 : vector<512x1xf32>
    %convert_element_type3A_190 = arith.extui %gt3A_189 : vector<512x1xi1> to vector<512x1xi32>
    %convert_element_type3A_191 = arith.sitofp %convert_element_type3A_190 : vector<512x1xi32> to vector<512x1xf32>
    %mul3A_192 = vector.broadcast %convert_element_type3A_191 : vector<512x1xf32> to vector<512x16xf32>
    %mul3A_193 = arith.mulf %convert_element_type3A_106, %mul3A_192 : vector<512x16xf32>
    %gt3A_194 = arith.constant 0.000000e+00 : f32
    %gt3A_195 = vector.broadcast %gt3A_194 : f32 to vector<512x1xf32>
    %gt3A_196 = arith.cmpf ogt, %div3A_97, %gt3A_195 : vector<512x1xf32>
    %convert_element_type3A_197 = arith.extui %gt3A_196 : vector<512x1xi1> to vector<512x1xi32>
    %convert_element_type3A_198 = arith.sitofp %convert_element_type3A_197 : vector<512x1xi32> to vector<512x1xf32>
    %mul3A_199 = vector.broadcast %convert_element_type3A_198 : vector<512x1xf32> to vector<512x16xf32>
    %mul3A_200 = arith.mulf %convert_element_type3A_110, %mul3A_199 : vector<512x16xf32>
    %add3A_201 = arith.addf %mul3A_193, %mul3A_200 : vector<512x16xf32>
    %reduce_sum3A_202 = arith.constant dense<0.000000e+00> : vector<16xf32>
    %reduce_sum3A_203 = vector.multi_reduction <add>, %add3A_201, %reduce_sum3A_202 [0] : vector<512x16xf32> to vector<16xf32>
    %broadcast_in_dim3A_204 = vector.shape_cast %reduce_sum3A_203 : vector<16xf32> to vector<1x16xf32>
    %add3A_205 = arith.addf %get3A_187, %broadcast_in_dim3A_204 : vector<1x16xf32>
    %swap3A_206 = arith.constant 0 : index
    %swap3A_207 = arith.constant 0 : index
    %swap3A_208 = vector.load %arg22[%swap3A_206, %swap3A_207] : memref<1x16xf32, #tpu.memory_space<vmem>>, vector<1x16xf32>
    tpu.vector_store %arg22[%swap3A_206, %swap3A_207], %add3A_205 {strides = array<i32>} : memref<1x16xf32, #tpu.memory_space<vmem>>, vector<1x16xf32>,
    %eq3A_209 = arith.constant 3 : i32
    %eq3A_210 = arith.cmpi eq, %arg0, %eq3A_209 : i32
    %convert_element_type3A_211 = arith.extui %eq3A_210 : i1 to i32
    %cond3A_212 = arith.constant 0 : i32
    %cond3A_213 = arith.cmpi ne, %convert_element_type3A_211, %cond3A_212 : i32
    scf.if %cond3A_213 {
      %get3A_214 = arith.constant 0 : index
      %get3A_215 = arith.constant 0 : index
      %get3A_216 = vector.load %arg19[%get3A_214, %get3A_215] : memref<1x16xf32, #tpu.memory_space<vmem>>, vector<1x16xf32>
      %get3A_217 = arith.constant 0 : index
      %get3A_218 = arith.constant 0 : index
      %get3A_219 = vector.load %arg20[%get3A_217, %get3A_218] : memref<1x16xf32, #tpu.memory_space<vmem>>, vector<1x16xf32>
      %add3A_220 = arith.addf %get3A_216, %get3A_219 : vector<1x16xf32>
      %div3A_221 = arith.constant 1.280000e+02 : f32
      %div3A_222 = vector.broadcast %div3A_221 : f32 to vector<1x16xf32>
      %div3A_223 = arith.divf %add3A_220, %div3A_222 : vector<1x16xf32>
      %ceil3A = math.ceil %div3A_223 : vector<1x16xf32>
      %mul3A_224 = arith.constant 1.280000e+02 : f32
      %mul3A_225 = vector.broadcast %mul3A_224 : f32 to vector<1x16xf32>
      %mul3A_226 = arith.mulf %ceil3A, %mul3A_225 : vector<1x16xf32>
      %iota3A_227 = tpu.iota {dimensions = array<i32: 0>} : vector<16x16xi32>
      %iota3A_228 = tpu.iota {dimensions = array<i32: 1>} : vector<16x16xi32>
      %lt3A_229 = arith.cmpi slt, %iota3A_227, %iota3A_228 : vector<16x16xi32>
      %convert_element_type3A_230 = arith.extui %lt3A_229 : vector<16x16xi1> to vector<16x16xi32>
      %convert_element_type3A_231 = arith.sitofp %convert_element_type3A_230 : vector<16x16xi32> to vector<16x16xf32>
      %dot_general3A_232 = arith.constant dense<0.000000e+00> : vector<1x16xf32>
      %dot_general3A_233 = tpu.matmul %mul3A_226, %convert_element_type3A_231, %dot_general3A_232 {dimension_numbers = #tpu.dot_dimension_numbers<[1], [0], [0], [1], [0, 0, 1, 1], [], []>, transpose_lhs_hint = false} : vector<1x16xf32>, vector<16x16xf32>, vector<1x16xf32> -> vector<1x16xf32>
      %add3A_234 = arith.addf %dot_general3A_233, %mul3A_226 : vector<1x16xf32>
      %iota3A_235 = tpu.iota {dimensions = array<i32: 1>} : vector<2048x16xi32>
      %get3A_236 = arith.constant 0 : index
      %get3A_237 = arith.constant 0 : index
      %get3A_238 = vector.load %arg23[%get3A_236, %get3A_237] : memref<2048x1xi32, #tpu.memory_space<vmem>>, vector<2048x1xi32>
      %eq3A_239 = vector.broadcast %get3A_238 : vector<2048x1xi32> to vector<2048x16xi32>
      %eq3A_240 = arith.cmpi eq, %iota3A_235, %eq3A_239 : vector<2048x16xi32>
      %convert_element_type3A_241 = arith.extui %eq3A_240 : vector<2048x16xi1> to vector<2048x16xi32>
      %convert_element_type3A_242 = arith.sitofp %convert_element_type3A_241 : vector<2048x16xi32> to vector<2048x16xf32>
      %get3A_243 = arith.constant 0 : index
      %get3A_244 = arith.constant 0 : index
      %get3A_245 = vector.load %arg24[%get3A_243, %get3A_244] : memref<2048x1xi32, #tpu.memory_space<vmem>>, vector<2048x1xi32>
      %eq3A_246 = vector.broadcast %get3A_245 : vector<2048x1xi32> to vector<2048x16xi32>
      %eq3A_247 = arith.cmpi eq, %iota3A_235, %eq3A_246 : vector<2048x16xi32>
      %convert_element_type3A_248 = arith.extui %eq3A_247 : vector<2048x16xi1> to vector<2048x16xi32>
      %convert_element_type3A_249 = arith.sitofp %convert_element_type3A_248 : vector<2048x16xi32> to vector<2048x16xf32>
      %mul3A_250 = vector.broadcast %dot_general3A_233 : vector<1x16xf32> to vector<2048x16xf32>
      %mul3A_251 = arith.mulf %convert_element_type3A_242, %mul3A_250 : vector<2048x16xf32>
      %reduce_sum3A_252 = arith.constant dense<0.000000e+00> : vector<2048xf32>
      %reduce_sum3A_253 = vector.multi_reduction <add>, %mul3A_251, %reduce_sum3A_252 [1] : vector<2048x16xf32> to vector<2048xf32>
      %broadcast_in_dim3A_254 = vector.shape_cast %reduce_sum3A_253 : vector<2048xf32> to vector<2048x1xf32>
      %get3A_255 = arith.constant 0 : index
      %get3A_256 = arith.constant 0 : index
      %get3A_257 = vector.load %arg25[%get3A_255, %get3A_256] : memref<2048x1xf32, #tpu.memory_space<vmem>>, vector<2048x1xf32>
      %add3A_258 = arith.addf %broadcast_in_dim3A_254, %get3A_257 : vector<2048x1xf32>
      %add3A_259 = arith.addf %dot_general3A_233, %get3A_216 : vector<1x16xf32>
      %mul3A_260 = vector.broadcast %add3A_259 : vector<1x16xf32> to vector<2048x16xf32>
      %mul3A_261 = arith.mulf %convert_element_type3A_249, %mul3A_260 : vector<2048x16xf32>
      %reduce_sum3A_262 = arith.constant dense<0.000000e+00> : vector<2048xf32>
      %reduce_sum3A_263 = vector.multi_reduction <add>, %mul3A_261, %reduce_sum3A_262 [1] : vector<2048x16xf32> to vector<2048xf32>
      %broadcast_in_dim3A_264 = vector.shape_cast %reduce_sum3A_263 : vector<2048xf32> to vector<2048x1xf32>
      %get3A_265 = arith.constant 0 : index
      %get3A_266 = arith.constant 0 : index
      %get3A_267 = vector.load %arg26[%get3A_265, %get3A_266] : memref<2048x1xf32, #tpu.memory_space<vmem>>, vector<2048x1xf32>
      %add3A_268 = arith.addf %broadcast_in_dim3A_264, %get3A_267 : vector<2048x1xf32>
      %convert_element_type3A_269 = arith.fptosi %add3A_258 : vector<2048x1xf32> to vector<2048x1xi32>
      %swap3A_270 = arith.constant 0 : index
      %swap3A_271 = arith.constant 0 : index
      %swap3A_272 = vector.load %arg15[%swap3A_270, %swap3A_271] : memref<4096x1xi32, #tpu.memory_space<vmem>>, vector<2048x1xi32>
      tpu.vector_store %arg15[%swap3A_270, %swap3A_271], %convert_element_type3A_269 {strides = array<i32>} : memref<4096x1xi32, #tpu.memory_space<vmem>>, vector<2048x1xi32>,
      %convert_element_type3A_273 = arith.fptosi %add3A_268 : vector<2048x1xf32> to vector<2048x1xi32>
      %swap3A_274 = arith.constant 2048 : index
      %swap3A_275 = arith.constant 0 : index
      %swap3A_276 = vector.load %arg15[%swap3A_274, %swap3A_275] : memref<4096x1xi32, #tpu.memory_space<vmem>>, vector<2048x1xi32>
      tpu.vector_store %arg15[%swap3A_274, %swap3A_275], %convert_element_type3A_273 {strides = array<i32>} : memref<4096x1xi32, #tpu.memory_space<vmem>>, vector<2048x1xi32>,
      %iota3A_277 = tpu.iota {dimensions = array<i32: 0>} : vector<48x16xi32>
      %convert_element_type3A_278 = arith.sitofp %iota3A_277 : vector<48x16xi32> to vector<48x16xf32>
      %mul3A_279 = arith.constant 1.280000e+02 : f32
      %mul3A_280 = vector.broadcast %mul3A_279 : f32 to vector<48x16xf32>
      %mul3A_281 = arith.mulf %convert_element_type3A_278, %mul3A_280 : vector<48x16xf32>
      %le3A = vector.broadcast %add3A_234 : vector<1x16xf32> to vector<48x16xf32>
      %le3A_282 = arith.cmpf ole, %le3A, %mul3A_281 : vector<48x16xf32>
      %convert_element_type3A_283 = arith.extui %le3A_282 : vector<48x16xi1> to vector<48x16xi32>
      %convert_element_type3A_284 = arith.sitofp %convert_element_type3A_283 : vector<48x16xi32> to vector<48x16xf32>
      %reduce_sum3A_285 = arith.constant dense<0.000000e+00> : vector<48xf32>
      %reduce_sum3A_286 = vector.multi_reduction <add>, %convert_element_type3A_284, %reduce_sum3A_285 [1] : vector<48x16xf32> to vector<48xf32>
      %broadcast_in_dim3A_287 = vector.shape_cast %reduce_sum3A_286 : vector<48xf32> to vector<48x1xf32>
      %convert_element_type3A_288 = arith.fptosi %broadcast_in_dim3A_287 : vector<48x1xf32> to vector<48x1xi32>
      %swap3A_289 = arith.constant 0 : index
      %swap3A_290 = arith.constant 0 : index
      %swap3A_291 = vector.load %arg16[%swap3A_289, %swap3A_290] : memref<48x1xi32, #tpu.memory_space<vmem>>, vector<48x1xi32>
      tpu.vector_store %arg16[%swap3A_289, %swap3A_290], %convert_element_type3A_288 {strides = array<i32>} : memref<48x1xi32, #tpu.memory_space<vmem>>, vector<48x1xi32>,
      %reduce_sum3A_292 = vector.shape_cast %mul3A_226 : vector<1x16xf32> to vector<1x1x16xf32>
      %reduce_sum3A_293 = arith.constant dense<0.000000e+00> : vector<1xf32>
      %reduce_sum3A_294 = vector.multi_reduction <add>, %reduce_sum3A_292, %reduce_sum3A_293 [1, 2] : vector<1x1x16xf32> to vector<1xf32>
      %reduce_sum3A_295 = vector.shape_cast %reduce_sum3A_294 : vector<1xf32> to vector<1x1x1xf32>
      %reduce_sum3A_296 = vector.extract %reduce_sum3A_295[0, 0, 0] : f32 from vector<1x1x1xf32>
      %div3A_297 = arith.constant 1.280000e+02 : f32
      %div3A_298 = arith.divf %reduce_sum3A_296, %div3A_297 : f32
      %sub3A_299 = arith.constant 1.000000e+00 : f32
      %sub3A_300 = arith.subf %div3A_298, %sub3A_299 : f32
      %min3A = vector.broadcast %sub3A_300 : f32 to vector<48x16xf32>
      %min3A_301 = arith.minimumf %convert_element_type3A_278, %min3A : vector<48x16xf32>
      %slice3A = vector.extract_strided_slice %min3A_301 {offsets = [0, 0], sizes = [48, 1], strides = [1, 1]} : vector<48x16xf32> to vector<48x1xf32>
      %convert_element_type3A_302 = arith.fptosi %slice3A : vector<48x1xf32> to vector<48x1xi32>
      %swap3A_303 = arith.constant 0 : index
      %swap3A_304 = arith.constant 0 : index
      %swap3A_305 = vector.load %arg17[%swap3A_303, %swap3A_304] : memref<48x1xi32, #tpu.memory_space<vmem>>, vector<48x1xi32>
      tpu.vector_store %arg17[%swap3A_303, %swap3A_304], %convert_element_type3A_302 {strides = array<i32>} : memref<48x1xi32, #tpu.memory_space<vmem>>, vector<48x1xi32>,
      %get3A_306 = arith.constant 0 : index
      %get3A_307 = arith.constant 0 : index
      %get3A_308 = vector.load %arg21[%get3A_306, %get3A_307] : memref<1x16xf32, #tpu.memory_space<vmem>>, vector<1x16xf32>
      %get3A_309 = arith.constant 0 : index
      %get3A_310 = arith.constant 0 : index
      %get3A_311 = vector.load %arg22[%get3A_309, %get3A_310] : memref<1x16xf32, #tpu.memory_space<vmem>>, vector<1x16xf32>
      %mul3A_312 = arith.mulf %get3A_308, %get3A_311 : vector<1x16xf32>
      %reduce_sum3A_313 = vector.shape_cast %mul3A_312 : vector<1x16xf32> to vector<1x1x16xf32>
      %reduce_sum3A_314 = arith.constant dense<0.000000e+00> : vector<1xf32>
      %reduce_sum3A_315 = vector.multi_reduction <add>, %reduce_sum3A_313, %reduce_sum3A_314 [1, 2] : vector<1x1x16xf32> to vector<1xf32>
      %reduce_sum3A_316 = vector.shape_cast %reduce_sum3A_315 : vector<1xf32> to vector<1x1x1xf32>
      %reduce_sum3A_317 = vector.extract %reduce_sum3A_316[0, 0, 0] : f32 from vector<1x1x1xf32>
      %mul3A_318 = arith.constant 3.81469727E-6 : f32
      %mul3A_319 = arith.mulf %mul3A_318, %reduce_sum3A_317 : f32
      %reshape3A_320 = vector.broadcast %mul3A_319 : f32 to vector<1x1xf32>
      %swap3A_321 = arith.constant 0 : index
      %swap3A_322 = arith.constant 0 : index
      %swap3A_323 = vector.load %arg18[%swap3A_321, %swap3A_322] : memref<1x1xf32, #tpu.memory_space<vmem>>, vector<1x1xf32>
      tpu.vector_store %arg18[%swap3A_321, %swap3A_322], %reshape3A_320 {strides = array<i32>} : memref<1x1xf32, #tpu.memory_space<vmem>>, vector<1x1xf32>,
    } else {
    }
    return
  }
  func.func @transform_0(%arg0: i32) -> (i32, i32) {
    %c0_i32 = arith.constant 0 : i32
    %c0_i32_0 = arith.constant 0 : i32
    return %arg0, %c0_i32 : i32, i32
  }
  func.func @transform_1(%arg0: i32) -> (i32, i32) {
    %c0_i32 = arith.constant 0 : i32
    %c0_i32_0 = arith.constant 0 : i32
    %c0_i32_1 = arith.constant 0 : i32
    return %c0_i32, %c0_i32_0 : i32, i32
  }
  func.func @transform_2(%arg0: i32) -> (i32, i32) {
    %c0_i32 = arith.constant 0 : i32
    %c0_i32_0 = arith.constant 0 : i32
    %c0_i32_1 = arith.constant 0 : i32
    return %c0_i32, %c0_i32_0 : i32, i32
  }
  func.func @transform_3(%arg0: i32) -> (i32, i32) {
    %c0_i32 = arith.constant 0 : i32
    %c0_i32_0 = arith.constant 0 : i32
    %c0_i32_1 = arith.constant 0 : i32
    return %c0_i32, %c0_i32_0 : i32, i32
  }
  func.func @transform_4(%arg0: i32) -> (i32, i32) {
    %c0_i32 = arith.constant 0 : i32
    %c0_i32_0 = arith.constant 0 : i32
    %c0_i32_1 = arith.constant 0 : i32
    return %c0_i32, %c0_i32_0 : i32, i32
  }
  func.func @transform_5(%arg0: i32) -> (i32, i32) {
    %c0_i32 = arith.constant 0 : i32
    %c0_i32_0 = arith.constant 0 : i32
    %c0_i32_1 = arith.constant 0 : i32
    return %c0_i32, %c0_i32_0 : i32, i32
  }
  func.func @transform_6(%arg0: i32) -> (i32, i32) {
    %c0_i32 = arith.constant 0 : i32
    %c0_i32_0 = arith.constant 0 : i32
    %c0_i32_1 = arith.constant 0 : i32
    return %c0_i32, %c0_i32_0 : i32, i32
  }
  func.func @transform_7(%arg0: i32) -> (i32, i32) {
    %c0_i32 = arith.constant 0 : i32
    %c0_i32_0 = arith.constant 0 : i32
    %c0_i32_1 = arith.constant 0 : i32
    return %c0_i32, %c0_i32_0 : i32, i32
  }
  func.func @transform_8(%arg0: i32) -> (i32, i32) {
    %c0_i32 = arith.constant 0 : i32
    %c0_i32_0 = arith.constant 0 : i32
    %c0_i32_1 = arith.constant 0 : i32
    return %c0_i32, %c0_i32_0 : i32, i32
  }
  func.func @transform_9(%arg0: i32) -> (i32, i32) {
    %c0_i32 = arith.constant 0 : i32
    %c0_i32_0 = arith.constant 0 : i32
    %c0_i32_1 = arith.constant 0 : i32
    return %c0_i32, %c0_i32_0 : i32, i32
  }
  func.func @transform_10(%arg0: i32) -> (i32, i32) {
    %c0_i32 = arith.constant 0 : i32
    %c0_i32_0 = arith.constant 0 : i32
    %c0_i32_1 = arith.constant 0 : i32
    return %c0_i32, %c0_i32_0 : i32, i32
  }
  func.func @transform_11(%arg0: i32) -> (i32, i32) {
    %c0_i32 = arith.constant 0 : i32
    %c0_i32_0 = arith.constant 0 : i32
    return %arg0, %c0_i32 : i32, i32
  }
  func.func @transform_12(%arg0: i32) -> (i32, i32) {
    %c0_i32 = arith.constant 0 : i32
    %c0_i32_0 = arith.constant 0 : i32
    return %arg0, %c0_i32 : i32, i32
  }
  func.func @transform_13(%arg0: i32) -> (i32, i32) {
    %c0_i32 = arith.constant 0 : i32
    %c0_i32_0 = arith.constant 0 : i32
    return %arg0, %c0_i32 : i32, i32
  }
  func.func @transform_14(%arg0: i32) -> (i32, i32) {
    %c0_i32 = arith.constant 0 : i32
    %c0_i32_0 = arith.constant 0 : i32
    %c0_i32_1 = arith.constant 0 : i32
    return %c0_i32, %c0_i32_0 : i32, i32
  }
  func.func @transform_15(%arg0: i32) -> (i32, i32) {
    %c0_i32 = arith.constant 0 : i32
    %c0_i32_0 = arith.constant 0 : i32
    %c0_i32_1 = arith.constant 0 : i32
    return %c0_i32, %c0_i32_0 : i32, i32
  }
  func.func @transform_16(%arg0: i32) -> (i32, i32) {
    %c0_i32 = arith.constant 0 : i32
    %c0_i32_0 = arith.constant 0 : i32
    %c0_i32_1 = arith.constant 0 : i32
    return %c0_i32, %c0_i32_0 : i32, i32
  }
  func.func @transform_17(%arg0: i32) -> (i32, i32) {
    %c0_i32 = arith.constant 0 : i32
    %c0_i32_0 = arith.constant 0 : i32
    %c0_i32_1 = arith.constant 0 : i32
    return %c0_i32, %c0_i32_0 : i32, i32
  }
}

module attributes {stable_mosaic.version = 14 : i64} {
  func.func @_stage_c_body(%arg0: i32, %arg1: memref<48xi32, #tpu.memory_space<smem>>, %arg2: memref<48xi32, #tpu.memory_space<smem>>, %arg3: memref<128x1024xf32, #tpu.memory_space<vmem>>, %arg4: memref<1x1024x512xf32, #tpu.memory_space<vmem>>, %arg5: memref<1x1x512xf32, #tpu.memory_space<vmem>>, %arg6: memref<1x512x1024xf32, #tpu.memory_space<vmem>>, %arg7: memref<1x1x1024xf32, #tpu.memory_space<vmem>>, %arg8: memref<128x1024xf32, #tpu.memory_space<vmem>>) attributes {dimension_semantics = [#tpu.dimension_semantics<arbitrary>], iteration_bounds = array<i64: 48>, scalar_prefetch = 2 : i64, scratch_operands = 0 : i64, tpu.core_type = #tpu.core_type<tc>, window_params = [{transform_indices = @transform_0, window_bounds = array<i64: 128, 1024>}, {transform_indices = @transform_1, window_bounds = array<i64: 1, 1024, 512>}, {transform_indices = @transform_2, window_bounds = array<i64: 1, 1, 512>}, {transform_indices = @transform_3, window_bounds = array<i64: 1, 512, 1024>}, {transform_indices = @transform_4, window_bounds = array<i64: 1, 1, 1024>}, {transform_indices = @transform_5, window_bounds = array<i64: 128, 1024>}]} {
    %get3A = arith.index_cast %arg0 : i32 to index
    %get3A_0 = memref.load %arg1[%get3A] : memref<48xi32, #tpu.memory_space<smem>>
    %lt3A = arith.constant 16 : i32
    %lt3A_1 = arith.cmpi slt, %get3A_0, %lt3A : i32
    %convert_element_type3A = arith.extui %lt3A_1 : i1 to i32
    %cond3A = arith.constant 0 : i32
    %cond3A_2 = arith.cmpi ne, %convert_element_type3A, %cond3A : i32
    scf.if %cond3A_2 {
      %get3A_3 = arith.constant 0 : index
      %get3A_4 = arith.constant 0 : index
      %get3A_5 = vector.load %arg3[%get3A_3, %get3A_4] : memref<128x1024xf32, #tpu.memory_space<vmem>>, vector<128x1024xf32>
      %get3A_6 = arith.constant 0 : index
      %get3A_7 = arith.constant 0 : index
      %get3A_8 = arith.constant 0 : index
      %get3A_9 = vector.load %arg4[%get3A_6, %get3A_7, %get3A_8] : memref<1x1024x512xf32, #tpu.memory_space<vmem>>, vector<1x1024x512xf32>
      %get3A_10 = vector.shape_cast %get3A_9 : vector<1x1024x512xf32> to vector<1024x512xf32>
      %dot_general3A = arith.constant dense<0.000000e+00> : vector<128x512xf32>
      %dot_general3A_11 = tpu.matmul %get3A_5, %get3A_10, %dot_general3A {dimension_numbers = #tpu.dot_dimension_numbers<[1], [0], [0], [1], [0, 0, 1, 1], [], []>, transpose_lhs_hint = false} : vector<128x1024xf32>, vector<1024x512xf32>, vector<128x512xf32> -> vector<128x512xf32>
      %get3A_12 = arith.constant 0 : index
      %get3A_13 = arith.constant 0 : index
      %get3A_14 = arith.constant 0 : index
      %get3A_15 = vector.load %arg5[%get3A_12, %get3A_13, %get3A_14] : memref<1x1x512xf32, #tpu.memory_space<vmem>>, vector<1x1x512xf32>
      %get3A_16 = vector.shape_cast %get3A_15 : vector<1x1x512xf32> to vector<1x512xf32>
      %add3A = vector.broadcast %get3A_16 : vector<1x512xf32> to vector<128x512xf32>
      %add3A_17 = arith.addf %dot_general3A_11, %add3A : vector<128x512xf32>
      %max3A = arith.constant 0.000000e+00 : f32
      %max3A_18 = vector.broadcast %max3A : f32 to vector<128x512xf32>
      %max3A_19 = arith.maximumf %add3A_17, %max3A_18 : vector<128x512xf32>
      %get3A_20 = arith.constant 0 : index
      %get3A_21 = arith.constant 0 : index
      %get3A_22 = arith.constant 0 : index
      %get3A_23 = vector.load %arg6[%get3A_20, %get3A_21, %get3A_22] : memref<1x512x1024xf32, #tpu.memory_space<vmem>>, vector<1x512x1024xf32>
      %get3A_24 = vector.shape_cast %get3A_23 : vector<1x512x1024xf32> to vector<512x1024xf32>
      %dot_general3A_25 = arith.constant dense<0.000000e+00> : vector<128x1024xf32>
      %dot_general3A_26 = tpu.matmul %max3A_19, %get3A_24, %dot_general3A_25 {dimension_numbers = #tpu.dot_dimension_numbers<[1], [0], [0], [1], [0, 0, 1, 1], [], []>, transpose_lhs_hint = false} : vector<128x512xf32>, vector<512x1024xf32>, vector<128x1024xf32> -> vector<128x1024xf32>
      %get3A_27 = arith.constant 0 : index
      %get3A_28 = arith.constant 0 : index
      %get3A_29 = arith.constant 0 : index
      %get3A_30 = vector.load %arg7[%get3A_27, %get3A_28, %get3A_29] : memref<1x1x1024xf32, #tpu.memory_space<vmem>>, vector<1x1x1024xf32>
      %get3A_31 = vector.shape_cast %get3A_30 : vector<1x1x1024xf32> to vector<1x1024xf32>
      %add3A_32 = vector.broadcast %get3A_31 : vector<1x1024xf32> to vector<128x1024xf32>
      %add3A_33 = arith.addf %dot_general3A_26, %add3A_32 : vector<128x1024xf32>
      %swap3A = arith.constant 0 : index
      %swap3A_34 = arith.constant 0 : index
      %swap3A_35 = vector.load %arg8[%swap3A, %swap3A_34] : memref<128x1024xf32, #tpu.memory_space<vmem>>, vector<128x1024xf32>
      tpu.vector_store %arg8[%swap3A, %swap3A_34], %add3A_33 {strides = array<i32>} : memref<128x1024xf32, #tpu.memory_space<vmem>>, vector<128x1024xf32>,
    } else {
    }
    return
  }
  func.func @transform_0(%arg0: i32, %arg1: memref<48xi32, #tpu.memory_space<smem>>, %arg2: memref<48xi32, #tpu.memory_space<smem>>) -> (i32, i32) {
    %get3A = arith.index_cast %arg0 : i32 to index
    %get3A_0 = memref.load %arg2[%get3A] : memref<48xi32, #tpu.memory_space<smem>>
    %c0_i32 = arith.constant 0 : i32
    %c0_i32_1 = arith.constant 0 : i32
    return %get3A_0, %c0_i32 : i32, i32
  }
  func.func @transform_1(%arg0: i32, %arg1: memref<48xi32, #tpu.memory_space<smem>>, %arg2: memref<48xi32, #tpu.memory_space<smem>>) -> (i32, i32, i32) {
    %get3A = arith.index_cast %arg0 : i32 to index
    %get3A_0 = memref.load %arg1[%get3A] : memref<48xi32, #tpu.memory_space<smem>>
    %min3A = arith.constant 15 : i32
    %min3A_1 = arith.minsi %get3A_0, %min3A : i32
    %c0_i32 = arith.constant 0 : i32
    %c0_i32_2 = arith.constant 0 : i32
    %c0_i32_3 = arith.constant 0 : i32
    return %min3A_1, %c0_i32, %c0_i32_2 : i32, i32, i32
  }
  func.func @transform_2(%arg0: i32, %arg1: memref<48xi32, #tpu.memory_space<smem>>, %arg2: memref<48xi32, #tpu.memory_space<smem>>) -> (i32, i32, i32) {
    %get3A = arith.index_cast %arg0 : i32 to index
    %get3A_0 = memref.load %arg1[%get3A] : memref<48xi32, #tpu.memory_space<smem>>
    %min3A = arith.constant 15 : i32
    %min3A_1 = arith.minsi %get3A_0, %min3A : i32
    %c0_i32 = arith.constant 0 : i32
    %c0_i32_2 = arith.constant 0 : i32
    %c0_i32_3 = arith.constant 0 : i32
    return %min3A_1, %c0_i32, %c0_i32_2 : i32, i32, i32
  }
  func.func @transform_3(%arg0: i32, %arg1: memref<48xi32, #tpu.memory_space<smem>>, %arg2: memref<48xi32, #tpu.memory_space<smem>>) -> (i32, i32, i32) {
    %get3A = arith.index_cast %arg0 : i32 to index
    %get3A_0 = memref.load %arg1[%get3A] : memref<48xi32, #tpu.memory_space<smem>>
    %min3A = arith.constant 15 : i32
    %min3A_1 = arith.minsi %get3A_0, %min3A : i32
    %c0_i32 = arith.constant 0 : i32
    %c0_i32_2 = arith.constant 0 : i32
    %c0_i32_3 = arith.constant 0 : i32
    return %min3A_1, %c0_i32, %c0_i32_2 : i32, i32, i32
  }
  func.func @transform_4(%arg0: i32, %arg1: memref<48xi32, #tpu.memory_space<smem>>, %arg2: memref<48xi32, #tpu.memory_space<smem>>) -> (i32, i32, i32) {
    %get3A = arith.index_cast %arg0 : i32 to index
    %get3A_0 = memref.load %arg1[%get3A] : memref<48xi32, #tpu.memory_space<smem>>
    %min3A = arith.constant 15 : i32
    %min3A_1 = arith.minsi %get3A_0, %min3A : i32
    %c0_i32 = arith.constant 0 : i32
    %c0_i32_2 = arith.constant 0 : i32
    %c0_i32_3 = arith.constant 0 : i32
    return %min3A_1, %c0_i32, %c0_i32_2 : i32, i32, i32
  }
  func.func @transform_5(%arg0: i32, %arg1: memref<48xi32, #tpu.memory_space<smem>>, %arg2: memref<48xi32, #tpu.memory_space<smem>>) -> (i32, i32) {
    %get3A = arith.index_cast %arg0 : i32 to index
    %get3A_0 = memref.load %arg2[%get3A] : memref<48xi32, #tpu.memory_space<smem>>
    %c0_i32 = arith.constant 0 : i32
    %c0_i32_1 = arith.constant 0 : i32
    return %get3A_0, %c0_i32 : i32, i32
  }
}

module attributes {stable_mosaic.version = 14 : i64} {
  func.func @_stage_d_body(%arg0: i32, %arg1: memref<2x128x1024xf32, #tpu.memory_space<vmem>>, %arg2: memref<128x1xf32, #tpu.memory_space<vmem>>, %arg3: memref<128x1xf32, #tpu.memory_space<vmem>>, %arg4: memref<1024x12xf32, #tpu.memory_space<vmem>>, %arg5: memref<1x12xf32, #tpu.memory_space<vmem>>, %arg6: memref<1x1xf32, #tpu.memory_space<vmem>>, %arg7: memref<128x12xf32, #tpu.memory_space<vmem>>, %arg8: memref<128x12xf32, #tpu.memory_space<vmem>>) attributes {dimension_semantics = [#tpu.dimension_semantics<arbitrary>], iteration_bounds = array<i64: 16>, scalar_prefetch = 0 : i64, scratch_operands = 0 : i64, tpu.core_type = #tpu.core_type<tc>, window_params = [{transform_indices = @transform_0, window_bounds = array<i64: 2, 128, 1024>}, {transform_indices = @transform_1, window_bounds = array<i64: 128, 1>}, {transform_indices = @transform_2, window_bounds = array<i64: 128, 1>}, {pipeline_mode = #tpu.pipeline_mode<synchronous>, transform_indices = @transform_3, window_bounds = array<i64: 1024, 12>}, {pipeline_mode = #tpu.pipeline_mode<synchronous>, transform_indices = @transform_4, window_bounds = array<i64: 1, 12>}, {pipeline_mode = #tpu.pipeline_mode<synchronous>, transform_indices = @transform_5, window_bounds = array<i64: 1, 1>}, {transform_indices = @transform_6, window_bounds = array<i64: 128, 12>}, {transform_indices = @transform_7, window_bounds = array<i64: 128, 12>}]} {
    %get3A = arith.constant 0 : index
    %get3A_0 = arith.constant 0 : index
    %get3A_1 = vector.load %arg2[%get3A, %get3A_0] : memref<128x1xf32, #tpu.memory_space<vmem>>, vector<128x1xf32>
    %get3A_2 = arith.constant 0 : index
    %get3A_3 = arith.constant 0 : index
    %get3A_4 = arith.constant 0 : index
    %get3A_5 = vector.load %arg1[%get3A_2, %get3A_3, %get3A_4] : memref<2x128x1024xf32, #tpu.memory_space<vmem>>, vector<1x128x1024xf32>
    %get3A_6 = vector.shape_cast %get3A_5 : vector<1x128x1024xf32> to vector<128x1024xf32>
    %mul3A = vector.broadcast %get3A_1 : vector<128x1xf32> to vector<128x1024xf32>
    %mul3A_7 = arith.mulf %mul3A, %get3A_6 : vector<128x1024xf32>
    %get3A_8 = arith.constant 0 : index
    %get3A_9 = arith.constant 0 : index
    %get3A_10 = vector.load %arg3[%get3A_8, %get3A_9] : memref<128x1xf32, #tpu.memory_space<vmem>>, vector<128x1xf32>
    %get3A_11 = arith.constant 1 : index
    %get3A_12 = arith.constant 0 : index
    %get3A_13 = arith.constant 0 : index
    %get3A_14 = vector.load %arg1[%get3A_11, %get3A_12, %get3A_13] : memref<2x128x1024xf32, #tpu.memory_space<vmem>>, vector<1x128x1024xf32>
    %get3A_15 = vector.shape_cast %get3A_14 : vector<1x128x1024xf32> to vector<128x1024xf32>
    %mul3A_16 = vector.broadcast %get3A_10 : vector<128x1xf32> to vector<128x1024xf32>
    %mul3A_17 = arith.mulf %mul3A_16, %get3A_15 : vector<128x1024xf32>
    %add3A = arith.addf %mul3A_7, %mul3A_17 : vector<128x1024xf32>
    %max3A = arith.constant 0.000000e+00 : f32
    %max3A_18 = vector.broadcast %max3A : f32 to vector<128x1024xf32>
    %max3A_19 = arith.maximumf %add3A, %max3A_18 : vector<128x1024xf32>
    %get3A_20 = arith.constant 0 : index
    %get3A_21 = arith.constant 0 : index
    %get3A_22 = vector.load %arg4[%get3A_20, %get3A_21] : memref<1024x12xf32, #tpu.memory_space<vmem>>, vector<1024x12xf32>
    %dot_general3A = arith.constant dense<0.000000e+00> : vector<128x12xf32>
    %dot_general3A_23 = tpu.matmul %max3A_19, %get3A_22, %dot_general3A {dimension_numbers = #tpu.dot_dimension_numbers<[1], [0], [0], [1], [0, 0, 1, 1], [], []>, transpose_lhs_hint = false} : vector<128x1024xf32>, vector<1024x12xf32>, vector<128x12xf32> -> vector<128x12xf32>
    %get3A_24 = arith.constant 0 : index
    %get3A_25 = arith.constant 0 : index
    %get3A_26 = vector.load %arg5[%get3A_24, %get3A_25] : memref<1x12xf32, #tpu.memory_space<vmem>>, vector<1x12xf32>
    %add3A_27 = vector.broadcast %get3A_26 : vector<1x12xf32> to vector<128x12xf32>
    %add3A_28 = arith.addf %dot_general3A_23, %add3A_27 : vector<128x12xf32>
    %tanh3A = math.tanh %add3A_28 : vector<128x12xf32>
    %swap3A = arith.constant 0 : index
    %swap3A_29 = arith.constant 0 : index
    %swap3A_30 = vector.load %arg7[%swap3A, %swap3A_29] : memref<128x12xf32, #tpu.memory_space<vmem>>, vector<128x12xf32>
    tpu.vector_store %arg7[%swap3A, %swap3A_29], %tanh3A {strides = array<i32>} : memref<128x12xf32, #tpu.memory_space<vmem>>, vector<128x12xf32>,
    %get3A_31 = arith.constant 0 : index
    %get3A_32 = arith.constant 0 : index
    %get3A_33 = vector.load %arg6[%get3A_31, %get3A_32] : memref<1x1xf32, #tpu.memory_space<vmem>>, vector<1x1xf32>
    %broadcast_in_dim3A = vector.shape_cast %get3A_33 : vector<1x1xf32> to vector<1x1xf32>
    %broadcast_in_dim3A_34 = vector.broadcast %broadcast_in_dim3A : vector<1x1xf32> to vector<128x12xf32>
    %swap3A_35 = arith.constant 0 : index
    %swap3A_36 = arith.constant 0 : index
    %swap3A_37 = vector.load %arg8[%swap3A_35, %swap3A_36] : memref<128x12xf32, #tpu.memory_space<vmem>>, vector<128x12xf32>
    tpu.vector_store %arg8[%swap3A_35, %swap3A_36], %broadcast_in_dim3A_34 {strides = array<i32>} : memref<128x12xf32, #tpu.memory_space<vmem>>, vector<128x12xf32>,
    return
  }
  func.func @transform_0(%arg0: i32) -> (i32, i32, i32) {
    %c0_i32 = arith.constant 0 : i32
    %c0_i32_0 = arith.constant 0 : i32
    %c0_i32_1 = arith.constant 0 : i32
    return %c0_i32, %arg0, %c0_i32_0 : i32, i32, i32
  }
  func.func @transform_1(%arg0: i32) -> (i32, i32) {
    %c0_i32 = arith.constant 0 : i32
    %c0_i32_0 = arith.constant 0 : i32
    return %arg0, %c0_i32 : i32, i32
  }
  func.func @transform_2(%arg0: i32) -> (i32, i32) {
    %c0_i32 = arith.constant 0 : i32
    %c0_i32_0 = arith.constant 0 : i32
    return %arg0, %c0_i32 : i32, i32
  }
  func.func @transform_3(%arg0: i32) -> (i32, i32) {
    %c0_i32 = arith.constant 0 : i32
    %c0_i32_0 = arith.constant 0 : i32
    %c0_i32_1 = arith.constant 0 : i32
    return %c0_i32, %c0_i32_0 : i32, i32
  }
  func.func @transform_4(%arg0: i32) -> (i32, i32) {
    %c0_i32 = arith.constant 0 : i32
    %c0_i32_0 = arith.constant 0 : i32
    %c0_i32_1 = arith.constant 0 : i32
    return %c0_i32, %c0_i32_0 : i32, i32
  }
  func.func @transform_5(%arg0: i32) -> (i32, i32) {
    %c0_i32 = arith.constant 0 : i32
    %c0_i32_0 = arith.constant 0 : i32
    %c0_i32_1 = arith.constant 0 : i32
    return %c0_i32, %c0_i32_0 : i32, i32
  }
  func.func @transform_6(%arg0: i32) -> (i32, i32) {
    %c0_i32 = arith.constant 0 : i32
    %c0_i32_0 = arith.constant 0 : i32
    return %arg0, %c0_i32 : i32, i32
  }
  func.func @transform_7(%arg0: i32) -> (i32, i32) {
    %c0_i32 = arith.constant 0 : i32
    %c0_i32_0 = arith.constant 0 : i32
    return %arg0, %c0_i32 : i32, i32
  }
}

</mosaic_0001>

<sc_bundles>
// kernel: kernel.10.cloned.1.call-start
scs
__scs_entry_jumppad:
0x0: {  	(pc) =	sbr.rel $0x88, $3  }
0x1: {  	(tag) =	ssettag $0x0;
	lr =	simm.s32 $0x1  }
0x2: {  	[smem:$0x3F8F] =	sst lr;
	_ =	strace $0xD0000000  }
0x3: {  	_ = 	snop  }
0x4: {  	_ = 	snop  }
0x5: {  	_ = 	snop  }
0x6: {  	_ = 	snop  }
0x7: {  	_ = 	snop  }
__scs_overlays_trampoline_lowered:
0x8: {  	[smem:$0x3F9E] =	sst s0  }
0x9: {  	[smem:$0x3F9F] =	sst s1  }
0xa: {  	[smem:$0x3FA0] =	sst s2  }
0xb: {  	[smem:$0x3FA1] =	sst s3  }
0xc: {  	[smem:$0x3FA2] =	sst s4  }
0xd: {  	[smem:$0x3FA3] =	sst s5  }
0xe: {  	[smem:$0x3FA4] =	sst s6  }
0xf: {  	[smem:$0x3FA5] =	sst s7  }
0x10: {  	[smem:$0x3FA6] =	sst s8  }
0x11: {  	[smem:$0x3FA7] =	sst s9;
	s0 =	simm.s32 @!p0 $0x0  }
0x12: {  	s1 =	sld [smem:$0x3F8D];
	s0 =	simm.s32 @p0 $0x1  }
0x13: {  	[smem:$0x3FA8] =	sst s0;
	s0 =	simm.s32 @!p1 $0x0  }
0x14: {  	s2 =	sld [smem:$0x3F8C];
	s0 =	simm.s32 @p1 $0x1  }
0x15: {  	[smem:$0x3FA9] =	sst s0;
	s0 =	simm.s32 @!p2 $0x0  }
0x16: {  	s3 =	sld [smem:$0x3FDB];
	s0 =	simm.s32 @p2 $0x1  }
0x17: {  	s4 =	simm.s32 $0x1BF5;
	[smem:$0x3FAB] =	sst s0  }
0x18: {  	s0 =	sld [smem:$0x3F8E];
	_ =	swait.ge [sflag:s4], $0x0  }
0x19: {  	s7 =	sld [smem:$0x3F8F]  }
0x1a: {  	s8 =	sadd.s32 $0xFFFFE003, lr  }
0x1b: {  	s9 =	sadd.s32 $0xFFFFFEF7, lr;
	s5 =	simm.s32 $0xFFFFFFFF;
	p2 =	slt.u32 s8, $0xFFFFF086  }
0x1c: {  	p1 =	slt.u32 s9, $0xF7A;
	s5 =	simm.s32 @!p2 $0x0  }
0x1d: {  	s5 =	simm.s32 @p1 $0x1;
	p0 =	seq.s32 s7, s2  }
0x1e: {  	s7 =	smul.u32 @!p0 $0xF7A, s2;
	p2 =	seq.s32 @!p0 s5, $0x0  }
0x1f: {  	s9 =	smul.u32 $0xF7A, s1;
	s8 =	simm.s32 @!p0 $0x1BF5;
	p2 =	por !p2, p0  }
0x20: {  	[sflag:s8] =	ssyncset.s32 @!p0 $0xFFFFF086;
	s6 =	sadd.s32 @!p0 s3, s7;
	s7 =	simm.s32 @!p0 $0x108  }
0x21: {  	s3 =	sadd.s32 s3, s9;
	s6 =	sadd.s32 @!p0 $0x88, s6;
	s7 =	simm.s32 @p2 $0x1082  }
0x22: {  	[simem:s7], [sflag:s8] =	dma.local @!p0 [hbm:s6], $0xF7A  }
0x23: {  	s9 =	sor.u32 $0xD0000000, s2;
	s6 =	simm.s32 $0x108;
	_ =	swait.ge @!p0 [sflag:s8], $0x0  }
0x24: {  	s3 =	sadd.s32 $0x88, s3;
	s6 =	simm.s32 @!p1 $0x1082;
	[sflag:s4] =	ssyncset.s32 $0xFFFFF086  }
0x25: {  	[simem:s6], [sflag:s4] =	dma.local [hbm:s3], $0xF7A  }
0x26: {  	[smem:$0x3F8F] =	sst s1;
	(tag) =	ssettag s2;
	_ =	strace s9  }
0x27: {  	s1 =	sld [smem:$0x3F9F]  }
0x28: {  	s2 =	sld [smem:$0x3FA0]  }
0x29: {  	s4 =	sld [smem:$0x3FA2]  }
0x2a: {  	p0 =	seq.s32 s5, $0x0;
	s5 =	sld [smem:$0x3FA3]  }
0x2b: {  	s6 =	sld [smem:$0x3FA4]  }
0x2c: {  	s7 =	sld [smem:$0x3FA5]  }
0x2d: {  	s3 =	simm.s32 $0x108;
	s8 =	sld [smem:$0x3FA6]  }
0x2e: {  	s3 =	simm.s32 @!p0 $0x1082;
	s9 =	sld [smem:$0x3FA7]  }
0x2f: {  	lr =	sadd.s32 s0, s3;
	s0 =	sld [smem:$0x3F9E]  }
0x30: {  	s3 =	sld [smem:$0x3FA1]  }
0x31: {  	[smem:$0x3FAA] =	sst s10  }
0x32: {  	s10 =	sld [smem:$0x3FA8];
	_ =	sdelay $0x3  }
0x33: {  	p0 =	seq.s32 s10, $0x1;
	s10 =	sld [smem:$0x3FAA];
	_ =	sdelay $0x3  }
0x34: {  	[smem:$0x3FAA] =	sst s10  }
0x35: {  	s10 =	sld [smem:$0x3FA9];
	_ =	sdelay $0x3  }
0x36: {  	p1 =	seq.s32 s10, $0x1;
	s10 =	sld [smem:$0x3FAA];
	_ =	sdelay $0x3  }
0x37: {  	[smem:$0x3FAA] =	sst s10  }
0x38: {  	s10 =	sld [smem:$0x3FAB]  }
0x39: {  	_ = 	snop;
	(pc) =	sbr.ind lr, $3  }
0x3a: {  	_ = 	snop  }
0x3b: {  	_ = 	snop  }
0x3c: {  	p2 =	seq.s32 s10, $0x1;
	s10 =	sld [smem:$0x3FAA]  }
0x3d: {  	_ =	shalt  }
0x3e: {  	_ =	shalt  }
0x3f: {  	_ =	shalt  }
0x40: {  	_ =	shalt  }
0x41: {  	_ =	shalt  }
0x42: {  	_ =	shalt  }
0x43: {  	_ =	shalt  }
0x44: {  	_ =	shalt  }
0x45: {  	_ =	shalt  }
0x46: {  	_ =	shalt  }
0x47: {  	_ =	shalt  }
0x48: {  	_ =	shalt  }
0x49: {  	_ =	shalt  }
0x4a: {  	_ =	shalt  }
0x4b: {  	_ =	shalt  }
0x4c: {  	_ =	shalt  }
0x4d: {  	_ =	shalt  }
0x4e: {  	_ =	shalt  }
0x4f: {  	_ =	shalt  }
0x50: {  	_ =	shalt  }
0x51: {  	_ =	shalt  }
0x52: {  	_ =	shalt  }
0x53: {  	_ =	shalt  }
0x54: {  	_ =	shalt  }
0x55: {  	_ =	shalt  }
0x56: {  	_ =	shalt  }
0x57: {  	_ =	shalt  }
0x58: {  	_ =	shalt  }
0x59: {  	_ =	shalt  }
0x5a: {  	_ =	shalt  }
0x5b: {  	_ =	shalt  }
0x5c: {  	_ =	shalt  }
0x5d: {  	_ =	shalt  }
0x5e: {  	_ =	shalt  }
0x5f: {  	_ =	shalt  }
0x60: {  	_ =	shalt  }
0x61: {  	_ =	shalt  }
0x62: {  	_ =	shalt  }
0x63: {  	_ =	shalt  }
0x64: {  	_ =	shalt  }
0x65: {  	_ =	shalt  }
0x66: {  	_ =	shalt  }
0x67: {  	_ =	shalt  }
0x68: {  	_ =	shalt  }
0x69: {  	_ =	shalt  }
0x6a: {  	_ =	shalt  }
0x6b: {  	_ =	shalt  }
0x6c: {  	_ =	shalt  }
0x6d: {  	_ =	shalt  }
0x6e: {  	_ =	shalt  }
0x6f: {  	_ =	shalt  }
0x70: {  	_ =	shalt  }
0x71: {  	_ =	shalt  }
0x72: {  	_ =	shalt  }
0x73: {  	_ =	shalt  }
0x74: {  	_ =	shalt  }
0x75: {  	_ =	shalt  }
0x76: {  	_ =	shalt  }
0x77: {  	_ =	shalt  }
0x78: {  	_ =	shalt  }
0x79: {  	_ =	shalt  }
0x7a: {  	_ =	shalt  }
0x7b: {  	_ =	shalt  }
0x7c: {  	_ =	shalt  }
0x7d: {  	_ =	shalt  }
0x7e: {  	_ =	shalt  }
0x7f: {  	_ =	shalt  }
0x80: {  	_ =	shalt  }
0x81: {  	_ =	shalt  }
0x82: {  	_ =	shalt  }
0x83: {  	_ =	shalt  }
0x84: {  	_ =	shalt  }
0x85: {  	_ =	shalt  }
0x86: {  	_ =	shalt  }
0x87: {  	_ =	shalt  }
.Lfunc_end0:
.L_simem_size_0:
called_computation.1_lowered:
.L_overlay_start_0:
0x88: {  	s2 =	sld [smem:$0x3FD9]  }
0x89: {  	s3 =	sld [smem:$0x3FFE];
	_ =	sdelay $0x1  }
0x8a: {  	s1 =	srdreg.scid  }
0x8b: {  	s0 =	sand.u32 $0x1, s1  }
0x8c: {  	s14 =	sshll.u32 s0, $0xA;
	s2 =	sadd.s32 s3, s2  }
0x8d: {  	s2 =	sadd.s32 s2, s14  }
0x8e: {  	[smem:$0x3FB6] =	sst s2  }
0x8f: {  	_ = 	snop  }
0x90: {  	s2 =	sld [smem:$0x3FD0];
	_ =	sdelay $0x2  }
0x91: {  	s15 =	simm.s32 $0xA;
	s4 =	simm.s32 $0x10  }
0x92: {  	[smem:s4], [sflag:s15] =	dma.local [hbm:s2], $0x1  }
0x93: {  	_ =	swait.eq [sflag:s15], $0x1  }
0x94: {  	[sflag:s15] =	ssyncset.done $0x0  }
0x95: {  	[sflag:s15] =	ssyncadd.s32 $0xFFFFFFFF  }
0x96: {  	s16 =	sld [smem:$0x11];
	(tm) =	ssettm $0x1  }
0x97: {  	s17 =	sld [smem:$0x3FFB];
	_ =	sdelay $0x3  }
0x98: {  	_ =	strace s17  }
0x99: {  	s3 =	sld [smem:$0x3FFC];
	_ =	sdelay $0x3  }
0x9a: {  	_ =	strace s3  }
0x9b: {  	s3 =	sld [smem:$0x3FFD];
	_ =	sdelay $0x3  }
0x9c: {  	_ =	strace s3  }
0x9d: {  	_ =	strace $0x8FFFFFFF  }
0x9e: {  	s18 =	sld [smem:$0x3FDB];
	_ =	sdelay $0x1  }
0x9f: {  	s19 =	simm.s32 $_scs_section_size  }
0xa0: {  	s5 =	simm.s32 $_size__tile_overlayer_lowered;
	s6 =	simm.s32 $_tile_overlayer_lowered  }
0xa1: {  	s22 =	simm.s32 $0x1BFF;
	s21 =	sshll.u32 s6, $0x1;
	s3 =	sadd.s32 s19, s18  }
0xa2: {  	s7 =	simm.s32 $0x0;
	s20 =	sshll.u32 s5, $0x1;
	s5 =	sadd.s32 s21, s3  }
0xa3: {  	[timem:s7], [sflag:s22] =	dma.local [hbm:s5], s20  }
0xa4: {  	_ =	swait.ge [sflag:s22], s20  }
0xa5: {  	s4 =	ssub.s32 $0x0, s20;
	[sflag:s22] =	ssyncset.done $0x0  }
0xa6: {  	[sflag:s22] =	ssyncadd.s32 s4;
	_ =	sdelay $0x1  }
0xa7: {  	s23 =	simm.s32 $0x1B8B  }
0xa8: {  	_ =	swait.ge [sflag:s23], $0x1  }
0xa9: {  	[sflag:s23] =	ssyncset.done $0x0  }
0xaa: {  	s25 =	simm.s32 $0x1B8E;
	s24 =	sld [smem:$0x3FFE];
	[sflag:s23] =	ssyncadd.s32 $0xFFFFFFFF  }
0xab: {  	s26 =	simm.s32 $execute0_lowered;
	[smem:$0x3FD2] =	sst s25  }
0xac: {  	s5 =	sshll.u32 s26, $0x1;
	_ =	strace $0x80000049;
	[dreg:$0x1] =	wrdreg $0xFFFFFFFF  }
0xad: {  	s28 =	simm.s32 $_size_execute0_lowered;
	s3 =	sadd.s32 s3, s5;
	[dreg:$0x0] =	wrdreg $0x0  }
0xae: {  	s5 =	sshll.u32 s28, $0x1;
	[dreg:$0x2] =	wrdreg s3  }
0xaf: {  	[dreg:$0x3] =	wrdreg s5  }
0xb0: {  	[dreg:$0x4] =	wrdreg $0xC0  }
0xb1: {  	_ =	task [dreg:s7], $0x5FFFF  }
0xb2: {  	[dreg:$0x1] =	wrdreg $0xFFFFFFFF  }
0xb3: {  	[dreg:$0x0] =	wrdreg $0x60  }
0xb4: {  	[dreg:$0x2] =	wrdreg s24  }
0xb5: {  	[dreg:$0x3] =	wrdreg s16  }
0xb6: {  	[dreg:$0x4] =	wrdreg $0x9  }
0xb7: {  	_ =	task.clear_ibuf [dreg:s7], $0x5FFFF;
	_ =	strace $0x90000049  }
0xb8: {  	s29 =	simm.s32 $0x9;
	_ =	strace $0x8000004B  }
0xb9: {  	_ =	swait.ge [sflag:s29], $0x1  }
0xba: {  	[sflag:s29] =	ssyncadd.s32 $0xFFFFFFFF  }
0xbb: {  	_ =	strace $0x9000004B  }
0xbc: {  	_ =	sfence  }
0xbd: {  	s30 =	sld [smem:$0x0];
	_ =	sdelay $0x2  }
0xbe: {  	s31 =	sshll.u32 s1, $0xD;
	s1 =	sshrl.u32 s1, $0x2  }
0xbf: {  	s3 =	sand.u32 $0x4000, s31;
	s1 =	sadd.s32 s1, s30  }
0xc0: {  	s0 =	sor.u32 s3, s0;
	s1 =	sshll.u32 s1, $0x11  }
0xc1: {  	s0 =	sor.u32 s1, s0  }
0xc2: {  	s0 =	sadd.s32 $0x8F2B, s0  }
0xc3: {  	[sflag:s0] =	ssyncadd.remote.s32 $0x1  }
0xc4: {  	_ =	sfence.sel $0xFFFF  }
0xc5: {  	[dreg:$0x0] =	wrdreg $0xFFFFFFFF;
	(pc) =	sbr.abs _section_cstart, $3  }
0xc6: {  	[dreg:$0x1] =	wrdreg $0xFFFFFFFF  }
0xc7: {  	_ =	task.clear_ibuf [dreg:s7], $0x2FFFF;
	_ =	strace $0x9FFFFFFF  }
0xc8: {  	(tm) =	ssettm $0x7FFFFFFF  }
0xc9: {  	_ =	shalt  }
tec
execute0_lowered:
.L_overlay_start_1:
0x0: {  	(tag) =	ssettag $0x1  }
0x1: {  	s0 =	rddreg [dreg:$0x0]  }
0x2: {  	s1 =	rddreg [dreg:$0x1]  }
0x3: {  	s2 =	srdreg.scid;
	s4 =	stileid.u32;
	s18 =	simm.s32 $0x1  }
0x4: {  	s20 =	simm.s32 $0x880;
	s21 =	simm.s32 $0x1080;
	s22 =	simm.s32 $0x1880  }
0x5: {  	s23 =	simm.s32 $0x2080;
	s28 =	simm.s32 $0x4080;
	s29 =	simm.s32 $0x4880  }
0x6: {  	s30 =	simm.s32 $0x5080;
	s31 =	simm.s32 $0x5880;
	s11 =	simm.s32 $0x7880  }
0x7: {  	s12 =	simm.s32 $0x8080;
	s13 =	simm.s32 $0x8880;
	s14 =	simm.s32 $0x9080  }
0x8: {  	s15 =	simm.s32 $0x9880;
	s16 =	simm.s32 $0xA080;
	s17 =	simm.s32 $0xA880  }
0x9: {  	s3 =	sand.u32 $0x1, s2;
	s2 =	simm.s32 $0x0;
	s4 =	sshll.u32 s4, $0x8  }
0xa: {  	s8 =	sadd.s32 $0x1800, s0;
	s5 =	sshll.u32 s3, $0x7;
	[smem:$0x7FF] =	sst s2  }
0xb: {  	s24 =	ssub.s32 $0x2, s3;
	s3 =	sadd.s32 $0x101800, s0;
	s5 =	sor.u32 s5, s4  }
0xc: {  	_ =	strace $0x8000004A;
	s7 =	sshrl.u32 s24, $0x1;
	s4 =	sadd.s32 $0x101900, s0  }
0xd: {  	s6 =	sshrl.u32 s5, $0x3;
	s7 =	ssub.s32 s24, s7;
	s25 =	sshll.u32 s5, $0x7  }
0xe: {  	s9 =	sor.u32 $0x40, s5;
	s5 =	sadd.s32 $0x101A00, s0;
	s24 =	simm.s32 $0x2880  }
0xf: {  	s6 =	sadd.s32 s1, s6;
	s10 =	sshrl.u32 s9, $0x3;
	s9 =	sshll.u32 s9, $0x7  }
0x10: {  	s7 =	smax.u32 s7, $0x1;
	[dreg:$0x3] =	wrdreg s6;
	s6 =	sadd.s32 s8, s25  }
0x11: {  	s1 =	sadd.s32 s1, s10;
	s26 =	sadd.s32 s8, s9;
	s8 =	simm.s32 $0x2  }
0x12: {  	v2 =	vlaneseq.u32;
	s25 =	simm.s32 $0x3080;
	s10 =	simm.s32 $0x7080;
	[dreg:$0x4] =	wrdreg s6  }
0x13: {  	vm0 =	vmmov $0xffff;
	v1 =	vshrl.u32 v2, $0x3;
	s9 =	simm.s32 $0xB080;
	s6 =	sadd.s32 $0x101B00, s0;
	[dreg:$0x5] =	wrdreg s1  }
0x14: {  	v0 =	vand.u32 $0x7, v2;
	v2 =	vor.u32 $0x8, v2;
	v1 =	vmul.u32 $0x8, v1;
	[dreg:$0x6] =	wrdreg s26;
	s0 =	simm.s32 $0x80;
	s26 =	simm.s32 $0x3880  }
.LBB2_1:
0x15: {  	s19 =	rddreg [dreg:$0x3]  }
0x16: {  	[tilespmem:s2], [sflag:$0x2] =	stream.linear.gather [hbm4b:s19+s2], $0x40, $0x38;
	[tilespmem:$0x10080] =	vst v63  }
0x17: {  	_ =	swait.ge [sflag:s8], $0x40  }
0x18: {  	[sflag:s8] =	ssyncset.done $0x0  }
0x19: {  	[sflag:s8] =	ssyncadd.s32 $0xFFFFFFC0  }
0x1a: {  	v3 =	vld [tilespmem:$0x0];
	_ =	sdelay $0x4  }
0x1b: {  	v4 =	vshll.u32 v3, $0x3  }
0x1c: {  	v3 =	vand.u32 $0x7, v3;
	v4 =	vand.u32 $0xFFFFFFC0, v4  }
0x1d: {  	v3 =	vor.u32 v3, v4  }
0x1e: {  	v4 =	vperm.xlane v3, v0;
	_ =	sdelay $0x1  }
0x1f: {  	v4 =	vadd.s32 v1, v4;
	_ =	sdelay $0x4  }
0x20: {  	[tilespmem:s0], [sflag:$0x1] =	stream.indirect_vreg.gather [hbm4b:s3+s2], $0x80, v4, vm0, $0xb8;
	[tilespmem:$0x10080] =	vst v63  }
0x21: {  	v3 =	vperm.xlane v3, v2  }
0x22: {  	[tilespmem:s20], [sflag:$0x1] =	stream.indirect_vreg.gather [hbm4b:s4+s2], $0x80, v4, vm0, $0xb8;
	[tilespmem:$0x10080] =	vst v63  }
0x23: {  	v3 =	vadd.s32 v1, v3  }
0x24: {  	[tilespmem:s21], [sflag:$0x1] =	stream.indirect_vreg.gather [hbm4b:s5+s2], $0x80, v4, vm0, $0xb8;
	[tilespmem:$0x10080] =	vst v63  }
0x25: {  	_ = 	snop  }
0x26: {  	[tilespmem:s22], [sflag:$0x1] =	stream.indirect_vreg.gather [hbm4b:s6+s2], $0x80, v4, vm0, $0xb8;
	[tilespmem:$0x10080] =	vst v63  }
0x27: {  	_ = 	snop  }
0x28: {  	[tilespmem:s23], [sflag:$0x1] =	stream.indirect_vreg.gather [hbm4b:s3+s2], $0x80, v3, vm0, $0xb8;
	[tilespmem:$0x10080] =	vst v63  }
0x29: {  	_ = 	snop  }
0x2a: {  	[tilespmem:s24], [sflag:$0x1] =	stream.indirect_vreg.gather [hbm4b:s4+s2], $0x80, v3, vm0, $0xb8;
	[tilespmem:$0x10080] =	vst v63  }
0x2b: {  	_ = 	snop  }
0x2c: {  	[tilespmem:s25], [sflag:$0x1] =	stream.indirect_vreg.gather [hbm4b:s5+s2], $0x80, v3, vm0, $0xb8;
	[tilespmem:$0x10080] =	vst v63  }
0x2d: {  	_ = 	snop  }
0x2e: {  	[tilespmem:s26], [sflag:$0x1] =	stream.indirect_vreg.gather [hbm4b:s6+s2], $0x80, v3, vm0, $0xb8;
	[tilespmem:$0x10080] =	vst v63  }
0x2f: {  	v3 =	vld [tilespmem:$0x10];
	_ =	sdelay $0x4  }
0x30: {  	v57 =	vshll.u32 v3, $0x3  }
0x31: {  	v3 =	vand.u32 $0x7, v3;
	v4 =	vand.u32 $0xFFFFFFC0, v57  }
0x32: {  	v3 =	vor.u32 v3, v4  }
0x33: {  	v4 =	vperm.xlane v3, v0;
	_ =	sdelay $0x1  }
0x34: {  	v4 =	vadd.s32 v1, v4;
	_ =	sdelay $0x4  }
0x35: {  	[tilespmem:s28], [sflag:$0x1] =	stream.indirect_vreg.gather [hbm4b:s3+s2], $0x80, v4, vm0, $0xb8;
	[tilespmem:$0x10080] =	vst v63  }
0x36: {  	v3 =	vperm.xlane v3, v2  }
0x37: {  	[tilespmem:s29], [sflag:$0x1] =	stream.indirect_vreg.gather [hbm4b:s4+s2], $0x80, v4, vm0, $0xb8;
	[tilespmem:$0x10080] =	vst v63  }
0x38: {  	v3 =	vadd.s32 v1, v3  }
0x39: {  	[tilespmem:s30], [sflag:$0x1] =	stream.indirect_vreg.gather [hbm4b:s5+s2], $0x80, v4, vm0, $0xb8;
	[tilespmem:$0x10080] =	vst v63  }
0x3a: {  	_ = 	snop  }
0x3b: {  	[tilespmem:s31], [sflag:$0x1] =	stream.indirect_vreg.gather [hbm4b:s6+s2], $0x80, v4, vm0, $0xb8;
	[tilespmem:$0x10080] =	vst v63  }
0x3c: {  	s1 =	simm.s32 $0x6080  }
0x3d: {  	[tilespmem:s1], [sflag:$0x1] =	stream.indirect_vreg.gather [hbm4b:s3+s2], $0x80, v3, vm0, $0xb8;
	[tilespmem:$0x10080] =	vst v63  }
0x3e: {  	s1 =	simm.s32 $0x6880  }
0x3f: {  	[tilespmem:s1], [sflag:$0x1] =	stream.indirect_vreg.gather [hbm4b:s4+s2], $0x80, v3, vm0, $0xb8;
	[tilespmem:$0x10080] =	vst v63  }
0x40: {  	_ = 	snop  }
0x41: {  	[tilespmem:s10], [sflag:$0x1] =	stream.indirect_vreg.gather [hbm4b:s5+s2], $0x80, v3, vm0, $0xb8;
	[tilespmem:$0x10080] =	vst v63  }
0x42: {  	_ = 	snop  }
0x43: {  	[tilespmem:s11], [sflag:$0x1] =	stream.indirect_vreg.gather [hbm4b:s6+s2], $0x80, v3, vm0, $0xb8;
	[tilespmem:$0x10080] =	vst v63  }
0x44: {  	v3 =	vld [tilespmem:$0x20];
	_ =	sdelay $0x4  }
0x45: {  	v58 =	vshll.u32 v3, $0x3  }
0x46: {  	v3 =	vand.u32 $0x7, v3;
	v4 =	vand.u32 $0xFFFFFFC0, v58  }
0x47: {  	v3 =	vor.u32 v3, v4  }
0x48: {  	v4 =	vperm.xlane v3, v0;
	_ =	sdelay $0x1  }
0x49: {  	v4 =	vadd.s32 v1, v4;
	_ =	sdelay $0x4  }
0x4a: {  	[tilespmem:s12], [sflag:$0x1] =	stream.indirect_vreg.gather [hbm4b:s3+s2], $0x80, v4, vm0, $0xb8;
	[tilespmem:$0x10080] =	vst v63  }
0x4b: {  	v3 =	vperm.xlane v3, v2  }
0x4c: {  	[tilespmem:s13], [sflag:$0x1] =	stream.indirect_vreg.gather [hbm4b:s4+s2], $0x80, v4, vm0, $0xb8;
	[tilespmem:$0x10080] =	vst v63  }
0x4d: {  	v3 =	vadd.s32 v1, v3  }
0x4e: {  	[tilespmem:s14], [sflag:$0x1] =	stream.indirect_vreg.gather [hbm4b:s5+s2], $0x80, v4, vm0, $0xb8;
	[tilespmem:$0x10080] =	vst v63  }
0x4f: {  	_ = 	snop  }
0x50: {  	[tilespmem:s15], [sflag:$0x1] =	stream.indirect_vreg.gather [hbm4b:s6+s2], $0x80, v4, vm0, $0xb8;
	[tilespmem:$0x10080] =	vst v63  }
0x51: {  	_ = 	snop  }
0x52: {  	[tilespmem:s16], [sflag:$0x1] =	stream.indirect_vreg.gather [hbm4b:s3+s2], $0x80, v3, vm0, $0xb8;
	[tilespmem:$0x10080] =	vst v63  }
0x53: {  	_ = 	snop  }
0x54: {  	[tilespmem:s17], [sflag:$0x1] =	stream.indirect_vreg.gather [hbm4b:s4+s2], $0x80, v3, vm0, $0xb8;
	[tilespmem:$0x10080] =	vst v63  }
0x55: {  	_ = 	snop  }
0x56: {  	[tilespmem:s9], [sflag:$0x1] =	stream.indirect_vreg.gather [hbm4b:s5+s2], $0x80, v3, vm0, $0xb8;
	[tilespmem:$0x10080] =	vst v63  }
0x57: {  	s19 =	simm.s32 $0xB880  }
0x58: {  	[tilespmem:s19], [sflag:$0x1] =	stream.indirect_vreg.gather [hbm4b:s6+s2], $0x80, v3, vm0, $0xb8;
	[tilespmem:$0x10080] =	vst v63  }
0x59: {  	v3 =	vld [tilespmem:$0x30];
	_ =	sdelay $0x4  }
0x5a: {  	v59 =	vshll.u32 v3, $0x3  }
0x5b: {  	v3 =	vand.u32 $0x7, v3;
	v4 =	vand.u32 $0xFFFFFFC0, v59  }
0x5c: {  	v3 =	vor.u32 v3, v4  }
0x5d: {  	v4 =	vperm.xlane v3, v0;
	_ =	sdelay $0x1  }
0x5e: {  	v4 =	vadd.s32 v1, v4;
	_ =	sdelay $0x3  }
0x5f: {  	s19 =	simm.s32 $0xC080  }
0x60: {  	[tilespmem:s19], [sflag:$0x1] =	stream.indirect_vreg.gather [hbm4b:s3+s2], $0x80, v4, vm0, $0xb8;
	[tilespmem:$0x10080] =	vst v63  }
0x61: {  	v3 =	vperm.xlane v3, v2;
	s19 =	simm.s32 $0xC880  }
0x62: {  	[tilespmem:s19], [sflag:$0x1] =	stream.indirect_vreg.gather [hbm4b:s4+s2], $0x80, v4, vm0, $0xb8;
	[tilespmem:$0x10080] =	vst v63  }
0x63: {  	v3 =	vadd.s32 v1, v3;
	s19 =	simm.s32 $0xD080  }
0x64: {  	[tilespmem:s19], [sflag:$0x1] =	stream.indirect_vreg.gather [hbm4b:s5+s2], $0x80, v4, vm0, $0xb8;
	[tilespmem:$0x10080] =	vst v63  }
0x65: {  	s19 =	simm.s32 $0xD880  }
0x66: {  	[tilespmem:s19], [sflag:$0x1] =	stream.indirect_vreg.gather [hbm4b:s6+s2], $0x80, v4, vm0, $0xb8;
	[tilespmem:$0x10080] =	vst v63  }
0x67: {  	s19 =	simm.s32 $0xE080  }
0x68: {  	[tilespmem:s19], [sflag:$0x1] =	stream.indirect_vreg.gather [hbm4b:s3+s2], $0x80, v3, vm0, $0xb8;
	[tilespmem:$0x10080] =	vst v63  }
0x69: {  	s19 =	simm.s32 $0xE880  }
0x6a: {  	[tilespmem:s19], [sflag:$0x1] =	stream.indirect_vreg.gather [hbm4b:s4+s2], $0x80, v3, vm0, $0xb8;
	[tilespmem:$0x10080] =	vst v63  }
0x6b: {  	s19 =	simm.s32 $0xF080  }
0x6c: {  	[tilespmem:s19], [sflag:$0x1] =	stream.indirect_vreg.gather [hbm4b:s5+s2], $0x80, v3, vm0, $0xb8;
	[tilespmem:$0x10080] =	vst v63  }
0x6d: {  	s19 =	simm.s32 $0xF880  }
0x6e: {  	[tilespmem:s19], [sflag:$0x1] =	stream.indirect_vreg.gather [hbm4b:s6+s2], $0x80, v3, vm0, $0xb8;
	[tilespmem:$0x10080] =	vst v63  }
0x6f: {  	_ =	swait.ge [sflag:s18], $0x10000  }
0x70: {  	[sflag:s18] =	ssyncset.done $0x0  }
0x71: {  	s19 =	rddreg [dreg:$0x4];
	[sflag:s18] =	ssyncadd.s32 $0xFFFF0000  }
0x72: {  	[hbm4b:s19+s2] =	stream.linear.scatter [tilespmem:s0], [sflag:$0x2], $0x10000, $0x38;
	[tilespmem:$0x10080] =	vst v63  }
0x73: {  	_ =	swait.ge [sflag:s8], $0x10000  }
0x74: {  	[sflag:s8] =	ssyncset.done $0x0  }
0x75: {  	s19 =	rddreg [dreg:$0x5];
	[sflag:s8] =	ssyncadd.s32 $0xFFFF0000  }
0x76: {  	[tilespmem:s2], [sflag:$0x2] =	stream.linear.gather [hbm4b:s19+s2], $0x40, $0x38;
	[tilespmem:$0x10080] =	vst v63  }
0x77: {  	_ =	swait.ge [sflag:s8], $0x40  }
0x78: {  	[sflag:s8] =	ssyncset.done $0x0  }
0x79: {  	[sflag:s8] =	ssyncadd.s32 $0xFFFFFFC0  }
0x7a: {  	v3 =	vld [tilespmem:$0x0];
	_ =	sdelay $0x4  }
0x7b: {  	v60 =	vshll.u32 v3, $0x3  }
0x7c: {  	v3 =	vand.u32 $0x7, v3;
	v4 =	vand.u32 $0xFFFFFFC0, v60  }
0x7d: {  	v3 =	vor.u32 v3, v4  }
0x7e: {  	v4 =	vperm.xlane v3, v0;
	_ =	sdelay $0x1  }
0x7f: {  	v4 =	vadd.s32 v1, v4;
	_ =	sdelay $0x4  }
0x80: {  	[tilespmem:s0], [sflag:$0x1] =	stream.indirect_vreg.gather [hbm4b:s3+s2], $0x80, v4, vm0, $0xb8;
	[tilespmem:$0x10080] =	vst v63  }
0x81: {  	v3 =	vperm.xlane v3, v2  }
0x82: {  	[tilespmem:s20], [sflag:$0x1] =	stream.indirect_vreg.gather [hbm4b:s4+s2], $0x80, v4, vm0, $0xb8;
	[tilespmem:$0x10080] =	vst v63  }
0x83: {  	v3 =	vadd.s32 v1, v3  }
0x84: {  	[tilespmem:s21], [sflag:$0x1] =	stream.indirect_vreg.gather [hbm4b:s5+s2], $0x80, v4, vm0, $0xb8;
	[tilespmem:$0x10080] =	vst v63  }
0x85: {  	_ = 	snop  }
0x86: {  	[tilespmem:s22], [sflag:$0x1] =	stream.indirect_vreg.gather [hbm4b:s6+s2], $0x80, v4, vm0, $0xb8;
	[tilespmem:$0x10080] =	vst v63  }
0x87: {  	_ = 	snop  }
0x88: {  	[tilespmem:s23], [sflag:$0x1] =	stream.indirect_vreg.gather [hbm4b:s3+s2], $0x80, v3, vm0, $0xb8;
	[tilespmem:$0x10080] =	vst v63  }
0x89: {  	_ = 	snop  }
0x8a: {  	[tilespmem:s24], [sflag:$0x1] =	stream.indirect_vreg.gather [hbm4b:s4+s2], $0x80, v3, vm0, $0xb8;
	[tilespmem:$0x10080] =	vst v63  }
0x8b: {  	_ = 	snop  }
0x8c: {  	[tilespmem:s25], [sflag:$0x1] =	stream.indirect_vreg.gather [hbm4b:s5+s2], $0x80, v3, vm0, $0xb8;
	[tilespmem:$0x10080] =	vst v63  }
0x8d: {  	_ = 	snop  }
0x8e: {  	[tilespmem:s26], [sflag:$0x1] =	stream.indirect_vreg.gather [hbm4b:s6+s2], $0x80, v3, vm0, $0xb8;
	[tilespmem:$0x10080] =	vst v63  }
0x8f: {  	v3 =	vld [tilespmem:$0x10];
	_ =	sdelay $0x4  }
0x90: {  	v61 =	vshll.u32 v3, $0x3  }
0x91: {  	v3 =	vand.u32 $0x7, v3;
	v4 =	vand.u32 $0xFFFFFFC0, v61  }
0x92: {  	v3 =	vor.u32 v3, v4  }
0x93: {  	v4 =	vperm.xlane v3, v0;
	_ =	sdelay $0x1  }
0x94: {  	v4 =	vadd.s32 v1, v4;
	_ =	sdelay $0x4  }
0x95: {  	[tilespmem:s28], [sflag:$0x1] =	stream.indirect_vreg.gather [hbm4b:s3+s2], $0x80, v4, vm0, $0xb8;
	[tilespmem:$0x10080] =	vst v63  }
0x96: {  	v3 =	vperm.xlane v3, v2  }
0x97: {  	[tilespmem:s29], [sflag:$0x1] =	stream.indirect_vreg.gather [hbm4b:s4+s2], $0x80, v4, vm0, $0xb8;
	[tilespmem:$0x10080] =	vst v63  }
0x98: {  	v3 =	vadd.s32 v1, v3  }
0x99: {  	[tilespmem:s30], [sflag:$0x1] =	stream.indirect_vreg.gather [hbm4b:s5+s2], $0x80, v4, vm0, $0xb8;
	[tilespmem:$0x10080] =	vst v63  }
0x9a: {  	_ = 	snop  }
0x9b: {  	[tilespmem:s31], [sflag:$0x1] =	stream.indirect_vreg.gather [hbm4b:s6+s2], $0x80, v4, vm0, $0xb8;
	[tilespmem:$0x10080] =	vst v63  }
0x9c: {  	s19 =	simm.s32 $0x6080  }
0x9d: {  	[tilespmem:s19], [sflag:$0x1] =	stream.indirect_vreg.gather [hbm4b:s3+s2], $0x80, v3, vm0, $0xb8;
	[tilespmem:$0x10080] =	vst v63  }
0x9e: {  	_ = 	snop  }
0x9f: {  	[tilespmem:s1], [sflag:$0x1] =	stream.indirect_vreg.gather [hbm4b:s4+s2], $0x80, v3, vm0, $0xb8;
	[tilespmem:$0x10080] =	vst v63  }
0xa0: {  	_ = 	snop  }
0xa1: {  	[tilespmem:s10], [sflag:$0x1] =	stream.indirect_vreg.gather [hbm4b:s5+s2], $0x80, v3, vm0, $0xb8;
	[tilespmem:$0x10080] =	vst v63  }
0xa2: {  	_ = 	snop  }
0xa3: {  	[tilespmem:s11], [sflag:$0x1] =	stream.indirect_vreg.gather [hbm4b:s6+s2], $0x80, v3, vm0, $0xb8;
	[tilespmem:$0x10080] =	vst v63  }
0xa4: {  	v3 =	vld [tilespmem:$0x20];
	_ =	sdelay $0x4  }
0xa5: {  	v62 =	vshll.u32 v3, $0x3  }
0xa6: {  	v3 =	vand.u32 $0x7, v3;
	v4 =	vand.u32 $0xFFFFFFC0, v62  }
0xa7: {  	v3 =	vor.u32 v3, v4  }
0xa8: {  	v4 =	vperm.xlane v3, v0;
	_ =	sdelay $0x1  }
0xa9: {  	v4 =	vadd.s32 v1, v4;
	_ =	sdelay $0x4  }
0xaa: {  	[tilespmem:s12], [sflag:$0x1] =	stream.indirect_vreg.gather [hbm4b:s3+s2], $0x80, v4, vm0, $0xb8;
	[tilespmem:$0x10080] =	vst v63  }
0xab: {  	v3 =	vperm.xlane v3, v2  }
0xac: {  	[tilespmem:s13], [sflag:$0x1] =	stream.indirect_vreg.gather [hbm4b:s4+s2], $0x80, v4, vm0, $0xb8;
	[tilespmem:$0x10080] =	vst v63  }
0xad: {  	v3 =	vadd.s32 v1, v3  }
0xae: {  	[tilespmem:s14], [sflag:$0x1] =	stream.indirect_vreg.gather [hbm4b:s5+s2], $0x80, v4, vm0, $0xb8;
	[tilespmem:$0x10080] =	vst v63  }
0xaf: {  	_ = 	snop  }
0xb0: {  	[tilespmem:s15], [sflag:$0x1] =	stream.indirect_vreg.gather [hbm4b:s6+s2], $0x80, v4, vm0, $0xb8;
	[tilespmem:$0x10080] =	vst v63  }
0xb1: {  	_ = 	snop  }
0xb2: {  	[tilespmem:s16], [sflag:$0x1] =	stream.indirect_vreg.gather [hbm4b:s3+s2], $0x80, v3, vm0, $0xb8;
	[tilespmem:$0x10080] =	vst v63  }
0xb3: {  	_ = 	snop  }
0xb4: {  	[tilespmem:s17], [sflag:$0x1] =	stream.indirect_vreg.gather [hbm4b:s4+s2], $0x80, v3, vm0, $0xb8;
	[tilespmem:$0x10080] =	vst v63  }
0xb5: {  	_ = 	snop  }
0xb6: {  	[tilespmem:s9], [sflag:$0x1] =	stream.indirect_vreg.gather [hbm4b:s5+s2], $0x80, v3, vm0, $0xb8;
	[tilespmem:$0x10080] =	vst v63  }
0xb7: {  	s19 =	simm.s32 $0xB880  }
0xb8: {  	[tilespmem:s19], [sflag:$0x1] =	stream.indirect_vreg.gather [hbm4b:s6+s2], $0x80, v3, vm0, $0xb8;
	[tilespmem:$0x10080] =	vst v63  }
0xb9: {  	v3 =	vld [tilespmem:$0x30];
	_ =	sdelay $0x4  }
0xba: {  	v63 =	vshll.u32 v3, $0x3  }
0xbb: {  	v3 =	vand.u32 $0x7, v3;
	v4 =	vand.u32 $0xFFFFFFC0, v63  }
0xbc: {  	v3 =	vor.u32 v3, v4  }
0xbd: {  	v4 =	vperm.xlane v3, v0;
	_ =	sdelay $0x1  }
0xbe: {  	v4 =	vadd.s32 v1, v4;
	_ =	sdelay $0x3  }
0xbf: {  	s19 =	simm.s32 $0xC080  }
0xc0: {  	[tilespmem:s19], [sflag:$0x1] =	stream.indirect_vreg.gather [hbm4b:s3+s2], $0x80, v4, vm0, $0xb8;
	[tilespmem:$0x10080] =	vst v63  }
0xc1: {  	v3 =	vperm.xlane v3, v2;
	s19 =	simm.s32 $0xC880  }
0xc2: {  	[tilespmem:s19], [sflag:$0x1] =	stream.indirect_vreg.gather [hbm4b:s4+s2], $0x80, v4, vm0, $0xb8;
	[tilespmem:$0x10080] =	vst v63  }
0xc3: {  	v3 =	vadd.s32 v1, v3;
	s19 =	simm.s32 $0xD080  }
0xc4: {  	[tilespmem:s19], [sflag:$0x1] =	stream.indirect_vreg.gather [hbm4b:s5+s2], $0x80, v4, vm0, $0xb8;
	[tilespmem:$0x10080] =	vst v63  }
0xc5: {  	s19 =	simm.s32 $0xD880  }
0xc6: {  	[tilespmem:s19], [sflag:$0x1] =	stream.indirect_vreg.gather [hbm4b:s6+s2], $0x80, v4, vm0, $0xb8;
	[tilespmem:$0x10080] =	vst v63  }
0xc7: {  	s19 =	simm.s32 $0xE080  }
0xc8: {  	[tilespmem:s19], [sflag:$0x1] =	stream.indirect_vreg.gather [hbm4b:s3+s2], $0x80, v3, vm0, $0xb8;
	[tilespmem:$0x10080] =	vst v63  }
0xc9: {  	s19 =	simm.s32 $0xE880  }
0xca: {  	[tilespmem:s19], [sflag:$0x1] =	stream.indirect_vreg.gather [hbm4b:s4+s2], $0x80, v3, vm0, $0xb8;
	[tilespmem:$0x10080] =	vst v63  }
0xcb: {  	s19 =	simm.s32 $0xF080  }
0xcc: {  	[tilespmem:s19], [sflag:$0x1] =	stream.indirect_vreg.gather [hbm4b:s5+s2], $0x80, v3, vm0, $0xb8;
	[tilespmem:$0x10080] =	vst v63  }
0xcd: {  	s19 =	simm.s32 $0xF880  }
0xce: {  	[tilespmem:s19], [sflag:$0x1] =	stream.indirect_vreg.gather [hbm4b:s6+s2], $0x80, v3, vm0, $0xb8;
	[tilespmem:$0x10080] =	vst v63  }
0xcf: {  	_ =	swait.ge [sflag:s18], $0x10000  }
0xd0: {  	p0 =	sne.s32 s7, $0x1;
	[sflag:s18] =	ssyncset.done $0x0  }
.Ltmp0:
0xd1: {  	s1 =	rddreg [dreg:$0x6];
	[sflag:s18] =	ssyncadd.s32 $0xFFFF0000;
	(pc) =	sbr.rel @p0 .LBB2_1-.Ltmp0, $4  }
0xd2: {  	[hbm4b:s1+s2] =	stream.linear.scatter [tilespmem:s0], [sflag:$0x2], $0x10000, $0x38;
	[tilespmem:$0x10080] =	vst v63  }
0xd3: {  	_ =	swait.ge [sflag:s8], $0x10000  }
0xd4: {  	[sflag:s8] =	ssyncset.done $0x0  }
0xd5: {  	s7 =	sadd.s32 $0xFFFFFFFF, s7;
	[sflag:s8] =	ssyncadd.s32 $0xFFFF0000  }
0xd6: {  	_ =	sfence.sel $0x180000  }
0xd7: {  	[bflag:$0x0] =	sbarrier.arrive $0xFFFF  }
0xd8: {  	_ =	strace $0x9000004A  }
0xd9: {  	s0 =	stileid.u32;
	[bflag:$0x2] =	sbarrier.arrive $0xFFFF  }
0xda: {  	p0 =	sne.s32 s0, $0x0;
	s0 =	rddreg [dreg:$0x2]  }
0xdb: {  	s0 =	sadd.s32 @!p0 $0x100000, s0  }
0xdc: {  	[sflag:s0] =	ssyncadd.tile.s32 @!p0 $0x1;
	_ =	shalt  }
.Lfunc_end2:
_tile_overlayer_lowered:
.L_overlay_start_2:
0xdd: {  	(tag) =	ssettag $0x2  }
0xde: {  	s0 =	rddreg [dreg:$0x0];
	s2 =	stileid.u32  }
0xdf: {  	s1 =	rddreg [dreg:$0x1];
	p0 =	sne.s32 s2, $0x0  }
0xe0: {  	s3 =	rddreg [dreg:$0x2];
	[bflag:$0x3] =	sbarrier.arrive $0xFFFF;
	s2 =	simm.s32 @!p0 $0x1C02  }
0xe1: {  	[timem:s3], [sflag:s2] =	dma.local @!p0 [hbm:s0], s1  }
0xe2: {  	s0 =	simm.s32 @!p0 $0x2  }
0xe3: {  	_ =	swait.ge @!p0 [sflag:s0], s1  }
0xe4: {  	s1 =	ssub.s32 @!p0 $0x0, s1;
	[sflag:s0] =	ssyncset.done @!p0 $0x0  }
0xe5: {  	[sflag:s0] =	ssyncadd.s32 @!p0 s1  }
0xe6: {  	[bflag:$0x3] =	sbarrier.arrive $0xFFFF  }
0xe7: {  	_ =	shalt  }

// kernel: kernel.7.cloned.1.call-start
scs
__scs_entry_jumppad:
0x0: {  	(pc) =	sbr.rel $0x88, $3  }
0x1: {  	(tag) =	ssettag $0x0;
	lr =	simm.s32 $0x1  }
0x2: {  	[smem:$0x3F8F] =	sst lr;
	_ =	strace $0xD0000000  }
0x3: {  	_ = 	snop  }
0x4: {  	_ = 	snop  }
0x5: {  	_ = 	snop  }
0x6: {  	_ = 	snop  }
0x7: {  	_ = 	snop  }
__scs_overlays_trampoline_lowered:
0x8: {  	[smem:$0x3F9E] =	sst s0  }
0x9: {  	[smem:$0x3F9F] =	sst s1  }
0xa: {  	[smem:$0x3FA0] =	sst s2  }
0xb: {  	[smem:$0x3FA1] =	sst s3  }
0xc: {  	[smem:$0x3FA2] =	sst s4  }
0xd: {  	[smem:$0x3FA3] =	sst s5  }
0xe: {  	[smem:$0x3FA4] =	sst s6  }
0xf: {  	[smem:$0x3FA5] =	sst s7  }
0x10: {  	[smem:$0x3FA6] =	sst s8  }
0x11: {  	[smem:$0x3FA7] =	sst s9;
	s0 =	simm.s32 @!p0 $0x0  }
0x12: {  	s1 =	sld [smem:$0x3F8D];
	s0 =	simm.s32 @p0 $0x1  }
0x13: {  	[smem:$0x3FA8] =	sst s0;
	s0 =	simm.s32 @!p1 $0x0  }
0x14: {  	s2 =	sld [smem:$0x3F8C];
	s0 =	simm.s32 @p1 $0x1  }
0x15: {  	[smem:$0x3FA9] =	sst s0;
	s0 =	simm.s32 @!p2 $0x0  }
0x16: {  	s3 =	sld [smem:$0x3FDB];
	s0 =	simm.s32 @p2 $0x1  }
0x17: {  	s4 =	simm.s32 $0x1BF5;
	[smem:$0x3FAB] =	sst s0  }
0x18: {  	s0 =	sld [smem:$0x3F8E];
	_ =	swait.ge [sflag:s4], $0x0  }
0x19: {  	s7 =	sld [smem:$0x3F8F]  }
0x1a: {  	s8 =	sadd.s32 $0xFFFFE003, lr  }
0x1b: {  	s9 =	sadd.s32 $0xFFFFFEF7, lr;
	s5 =	simm.s32 $0xFFFFFFFF;
	p2 =	slt.u32 s8, $0xFFFFF086  }
0x1c: {  	p1 =	slt.u32 s9, $0xF7A;
	s5 =	simm.s32 @!p2 $0x0  }
0x1d: {  	s5 =	simm.s32 @p1 $0x1;
	p0 =	seq.s32 s7, s2  }
0x1e: {  	s7 =	smul.u32 @!p0 $0xF7A, s2;
	p2 =	seq.s32 @!p0 s5, $0x0  }
0x1f: {  	s9 =	smul.u32 $0xF7A, s1;
	s8 =	simm.s32 @!p0 $0x1BF5;
	p2 =	por !p2, p0  }
0x20: {  	[sflag:s8] =	ssyncset.s32 @!p0 $0xFFFFF086;
	s6 =	sadd.s32 @!p0 s3, s7;
	s7 =	simm.s32 @!p0 $0x108  }
0x21: {  	s3 =	sadd.s32 s3, s9;
	s6 =	sadd.s32 @!p0 $0x88, s6;
	s7 =	simm.s32 @p2 $0x1082  }
0x22: {  	[simem:s7], [sflag:s8] =	dma.local @!p0 [hbm:s6], $0xF7A  }
0x23: {  	s9 =	sor.u32 $0xD0000000, s2;
	s6 =	simm.s32 $0x108;
	_ =	swait.ge @!p0 [sflag:s8], $0x0  }
0x24: {  	s3 =	sadd.s32 $0x88, s3;
	s6 =	simm.s32 @!p1 $0x1082;
	[sflag:s4] =	ssyncset.s32 $0xFFFFF086  }
0x25: {  	[simem:s6], [sflag:s4] =	dma.local [hbm:s3], $0xF7A  }
0x26: {  	[smem:$0x3F8F] =	sst s1;
	(tag) =	ssettag s2;
	_ =	strace s9  }
0x27: {  	s1 =	sld [smem:$0x3F9F]  }
0x28: {  	s2 =	sld [smem:$0x3FA0]  }
0x29: {  	s4 =	sld [smem:$0x3FA2]  }
0x2a: {  	p0 =	seq.s32 s5, $0x0;
	s5 =	sld [smem:$0x3FA3]  }
0x2b: {  	s6 =	sld [smem:$0x3FA4]  }
0x2c: {  	s7 =	sld [smem:$0x3FA5]  }
0x2d: {  	s3 =	simm.s32 $0x108;
	s8 =	sld [smem:$0x3FA6]  }
0x2e: {  	s3 =	simm.s32 @!p0 $0x1082;
	s9 =	sld [smem:$0x3FA7]  }
0x2f: {  	lr =	sadd.s32 s0, s3;
	s0 =	sld [smem:$0x3F9E]  }
0x30: {  	s3 =	sld [smem:$0x3FA1]  }
0x31: {  	[smem:$0x3FAA] =	sst s10  }
0x32: {  	s10 =	sld [smem:$0x3FA8];
	_ =	sdelay $0x3  }
0x33: {  	p0 =	seq.s32 s10, $0x1;
	s10 =	sld [smem:$0x3FAA];
	_ =	sdelay $0x3  }
0x34: {  	[smem:$0x3FAA] =	sst s10  }
0x35: {  	s10 =	sld [smem:$0x3FA9];
	_ =	sdelay $0x3  }
0x36: {  	p1 =	seq.s32 s10, $0x1;
	s10 =	sld [smem:$0x3FAA];
	_ =	sdelay $0x3  }
0x37: {  	[smem:$0x3FAA] =	sst s10  }
0x38: {  	s10 =	sld [smem:$0x3FAB]  }
0x39: {  	_ = 	snop;
	(pc) =	sbr.ind lr, $3  }
0x3a: {  	_ = 	snop  }
0x3b: {  	_ = 	snop  }
0x3c: {  	p2 =	seq.s32 s10, $0x1;
	s10 =	sld [smem:$0x3FAA]  }
0x3d: {  	_ =	shalt  }
0x3e: {  	_ =	shalt  }
0x3f: {  	_ =	shalt  }
0x40: {  	_ =	shalt  }
0x41: {  	_ =	shalt  }
0x42: {  	_ =	shalt  }
0x43: {  	_ =	shalt  }
0x44: {  	_ =	shalt  }
0x45: {  	_ =	shalt  }
0x46: {  	_ =	shalt  }
0x47: {  	_ =	shalt  }
0x48: {  	_ =	shalt  }
0x49: {  	_ =	shalt  }
0x4a: {  	_ =	shalt  }
0x4b: {  	_ =	shalt  }
0x4c: {  	_ =	shalt  }
0x4d: {  	_ =	shalt  }
0x4e: {  	_ =	shalt  }
0x4f: {  	_ =	shalt  }
0x50: {  	_ =	shalt  }
0x51: {  	_ =	shalt  }
0x52: {  	_ =	shalt  }
0x53: {  	_ =	shalt  }
0x54: {  	_ =	shalt  }
0x55: {  	_ =	shalt  }
0x56: {  	_ =	shalt  }
0x57: {  	_ =	shalt  }
0x58: {  	_ =	shalt  }
0x59: {  	_ =	shalt  }
0x5a: {  	_ =	shalt  }
0x5b: {  	_ =	shalt  }
0x5c: {  	_ =	shalt  }
0x5d: {  	_ =	shalt  }
0x5e: {  	_ =	shalt  }
0x5f: {  	_ =	shalt  }
0x60: {  	_ =	shalt  }
0x61: {  	_ =	shalt  }
0x62: {  	_ =	shalt  }
0x63: {  	_ =	shalt  }
0x64: {  	_ =	shalt  }
0x65: {  	_ =	shalt  }
0x66: {  	_ =	shalt  }
0x67: {  	_ =	shalt  }
0x68: {  	_ =	shalt  }
0x69: {  	_ =	shalt  }
0x6a: {  	_ =	shalt  }
0x6b: {  	_ =	shalt  }
0x6c: {  	_ =	shalt  }
0x6d: {  	_ =	shalt  }
0x6e: {  	_ =	shalt  }
0x6f: {  	_ =	shalt  }
0x70: {  	_ =	shalt  }
0x71: {  	_ =	shalt  }
0x72: {  	_ =	shalt  }
0x73: {  	_ =	shalt  }
0x74: {  	_ =	shalt  }
0x75: {  	_ =	shalt  }
0x76: {  	_ =	shalt  }
0x77: {  	_ =	shalt  }
0x78: {  	_ =	shalt  }
0x79: {  	_ =	shalt  }
0x7a: {  	_ =	shalt  }
0x7b: {  	_ =	shalt  }
0x7c: {  	_ =	shalt  }
0x7d: {  	_ =	shalt  }
0x7e: {  	_ =	shalt  }
0x7f: {  	_ =	shalt  }
0x80: {  	_ =	shalt  }
0x81: {  	_ =	shalt  }
0x82: {  	_ =	shalt  }
0x83: {  	_ =	shalt  }
0x84: {  	_ =	shalt  }
0x85: {  	_ =	shalt  }
0x86: {  	_ =	shalt  }
0x87: {  	_ =	shalt  }
.Lfunc_end0:
.L_simem_size_0:
called_computation_lowered:
.L_overlay_start_0:
0x88: {  	s2 =	sld [smem:$0x3FD9]  }
0x89: {  	s3 =	sld [smem:$0x3FFE];
	_ =	sdelay $0x1  }
0x8a: {  	s1 =	srdreg.scid  }
0x8b: {  	s0 =	sand.u32 $0x1, s1  }
0x8c: {  	s14 =	sshll.u32 s0, $0xA;
	s2 =	sadd.s32 s3, s2  }
0x8d: {  	s2 =	sadd.s32 s2, s14  }
0x8e: {  	[smem:$0x3FB6] =	sst s2  }
0x8f: {  	_ = 	snop  }
0x90: {  	s2 =	sld [smem:$0x3FD0];
	_ =	sdelay $0x2  }
0x91: {  	s15 =	simm.s32 $0xA;
	s4 =	simm.s32 $0x10  }
0x92: {  	[smem:s4], [sflag:s15] =	dma.local [hbm:s2], $0x1  }
0x93: {  	_ =	swait.eq [sflag:s15], $0x1  }
0x94: {  	[sflag:s15] =	ssyncset.done $0x0  }
0x95: {  	[sflag:s15] =	ssyncadd.s32 $0xFFFFFFFF  }
0x96: {  	s16 =	sld [smem:$0x11];
	(tm) =	ssettm $0x1  }
0x97: {  	s17 =	sld [smem:$0x3FFB];
	_ =	sdelay $0x3  }
0x98: {  	_ =	strace s17  }
0x99: {  	s3 =	sld [smem:$0x3FFC];
	_ =	sdelay $0x3  }
0x9a: {  	_ =	strace s3  }
0x9b: {  	s3 =	sld [smem:$0x3FFD];
	_ =	sdelay $0x3  }
0x9c: {  	_ =	strace s3  }
0x9d: {  	_ =	strace $0x8FFFFFFF  }
0x9e: {  	s18 =	sld [smem:$0x3FDB];
	_ =	sdelay $0x1  }
0x9f: {  	s19 =	simm.s32 $_scs_section_size  }
0xa0: {  	s5 =	simm.s32 $_size__tile_overlayer_lowered;
	s6 =	simm.s32 $_tile_overlayer_lowered  }
0xa1: {  	s22 =	simm.s32 $0x1BFF;
	s21 =	sshll.u32 s6, $0x1;
	s3 =	sadd.s32 s19, s18  }
0xa2: {  	s7 =	simm.s32 $0x0;
	s20 =	sshll.u32 s5, $0x1;
	s5 =	sadd.s32 s21, s3  }
0xa3: {  	[timem:s7], [sflag:s22] =	dma.local [hbm:s5], s20  }
0xa4: {  	_ =	swait.ge [sflag:s22], s20  }
0xa5: {  	s4 =	ssub.s32 $0x0, s20;
	[sflag:s22] =	ssyncset.done $0x0  }
0xa6: {  	[sflag:s22] =	ssyncadd.s32 s4;
	_ =	sdelay $0x1  }
0xa7: {  	s23 =	simm.s32 $0x1B8B  }
0xa8: {  	_ =	swait.ge [sflag:s23], $0x1  }
0xa9: {  	[sflag:s23] =	ssyncset.done $0x0  }
0xaa: {  	s25 =	simm.s32 $0x1B8E;
	s24 =	sld [smem:$0x3FFE];
	[sflag:s23] =	ssyncadd.s32 $0xFFFFFFFF  }
0xab: {  	s26 =	simm.s32 $execute0_lowered;
	[smem:$0x3FD2] =	sst s25  }
0xac: {  	s5 =	sshll.u32 s26, $0x1;
	_ =	strace $0x80000046;
	[dreg:$0x1] =	wrdreg $0xFFFFFFFF  }
0xad: {  	s28 =	simm.s32 $_size_execute0_lowered;
	s3 =	sadd.s32 s3, s5;
	[dreg:$0x0] =	wrdreg $0x0  }
0xae: {  	s5 =	sshll.u32 s28, $0x1;
	[dreg:$0x2] =	wrdreg s3  }
0xaf: {  	[dreg:$0x3] =	wrdreg s5  }
0xb0: {  	[dreg:$0x4] =	wrdreg $0xC0  }
0xb1: {  	_ =	task [dreg:s7], $0x5FFFF  }
0xb2: {  	[dreg:$0x1] =	wrdreg $0xFFFFFFFF  }
0xb3: {  	[dreg:$0x0] =	wrdreg $0x60  }
0xb4: {  	[dreg:$0x2] =	wrdreg s24  }
0xb5: {  	[dreg:$0x3] =	wrdreg s16  }
0xb6: {  	[dreg:$0x4] =	wrdreg $0x9  }
0xb7: {  	_ =	task.clear_ibuf [dreg:s7], $0x5FFFF;
	_ =	strace $0x90000046  }
0xb8: {  	s29 =	simm.s32 $0x9;
	_ =	strace $0x80000048  }
0xb9: {  	_ =	swait.ge [sflag:s29], $0x1  }
0xba: {  	[sflag:s29] =	ssyncadd.s32 $0xFFFFFFFF  }
0xbb: {  	_ =	strace $0x90000048  }
0xbc: {  	_ =	sfence  }
0xbd: {  	s30 =	sld [smem:$0x0];
	_ =	sdelay $0x2  }
0xbe: {  	s31 =	sshll.u32 s1, $0xD;
	s1 =	sshrl.u32 s1, $0x2  }
0xbf: {  	s3 =	sand.u32 $0x4000, s31;
	s1 =	sadd.s32 s1, s30  }
0xc0: {  	s0 =	sor.u32 s3, s0;
	s1 =	sshll.u32 s1, $0x11  }
0xc1: {  	s0 =	sor.u32 s1, s0  }
0xc2: {  	s0 =	sadd.s32 $0x8F2B, s0  }
0xc3: {  	[sflag:s0] =	ssyncadd.remote.s32 $0x1  }
0xc4: {  	_ =	sfence.sel $0xFFFF  }
0xc5: {  	[dreg:$0x0] =	wrdreg $0xFFFFFFFF;
	(pc) =	sbr.abs _section_cstart, $3  }
0xc6: {  	[dreg:$0x1] =	wrdreg $0xFFFFFFFF  }
0xc7: {  	_ =	task.clear_ibuf [dreg:s7], $0x2FFFF;
	_ =	strace $0x9FFFFFFF  }
0xc8: {  	(tm) =	ssettm $0x7FFFFFFF  }
0xc9: {  	_ =	shalt  }
tec
execute0_lowered:
.L_overlay_start_1:
0x0: {  	(tag) =	ssettag $0x1  }
0x1: {  	s0 =	rddreg [dreg:$0x0]  }
0x2: {  	s1 =	rddreg [dreg:$0x1];
	s2 =	simm.s32 $0x0;
	s3 =	srdreg.scid  }
0x3: {  	s10 =	stileid.u32;
	s18 =	simm.s32 $0x1;
	s20 =	simm.s32 $0x880  }
0x4: {  	s21 =	simm.s32 $0x1080;
	s28 =	simm.s32 $0x4080;
	s29 =	simm.s32 $0x4880  }
0x5: {  	s30 =	simm.s32 $0x5080;
	s31 =	simm.s32 $0x5880;
	s12 =	simm.s32 $0x8080  }
0x6: {  	s13 =	simm.s32 $0x8880;
	s14 =	simm.s32 $0x9080;
	s15 =	simm.s32 $0x9880  }
0x7: {  	s16 =	simm.s32 $0xA080;
	s17 =	simm.s32 $0xA880;
	[smem:$0x7FF] =	sst s2  }
0x8: {  	s3 =	sand.u32 $0x1, s3;
	s4 =	sshll.u32 s10, $0x8;
	s7 =	sadd.s32 $0x1800, s0  }
0x9: {  	p0 =	sgt.u32 s10, $0x7;
	_ =	strace $0x80000047;
	s5 =	sshll.u32 s3, $0x7  }
0xa: {  	s6 =	ssub.s32 $0x2, s3;
	s3 =	sadd.s32 $0x41800, s0;
	s4 =	sor.u32 s5, s4  }
0xb: {  	s22 =	sshrl.u32 s6, $0x1;
	s8 =	sshll.u32 s4, $0xA;
	s9 =	sshrl.u32 s4, $0x3  }
0xc: {  	s11 =	ssub.s32 s6, s22;
	s6 =	sor.u32 $0x40, s4;
	s22 =	simm.s32 $0x1880  }
0xd: {  	s10 =	sadd.s32 $0xFFE00000, s8;
	s23 =	sadd.s32 s1, s9;
	s25 =	sshrl.u32 s6, $0x3  }
0xe: {  	s9 =	simm.s32 $0xB080;
	s8 =	smov.u32 @p0 s10;
	[dreg:$0x3] =	wrdreg s23  }
0xf: {  	s1 =	sadd.s32 s1, s25;
	s23 =	simm.s32 $0x2080;
	s25 =	simm.s32 $0x3080  }
0x10: {  	s10 =	simm.s32 $0x7080;
	s24 =	sshrl.u32 s8, $0x3;
	s8 =	sadd.s32 $0xFFFFF840, s4  }
0x11: {  	s4 =	sadd.s32 $0x41900, s0;
	[dreg:$0x5] =	wrdreg s1;
	s5 =	sadd.s32 s7, s24  }
0x12: {  	s6 =	smov.u32 @p0 s8;
	s24 =	simm.s32 $0x2880;
	[dreg:$0x4] =	wrdreg s5  }
0x13: {  	v2 =	vlaneseq.u32;
	s5 =	sadd.s32 $0x41A00, s0;
	s8 =	sshll.u32 s6, $0x7;
	s6 =	sadd.s32 $0x41B00, s0  }
0x14: {  	vm0 =	vmmov $0xffff;
	v1 =	vshrl.u32 v2, $0x3;
	s26 =	sadd.s32 s7, s8;
	s7 =	smax.u32 s11, $0x1;
	s8 =	simm.s32 $0x2  }
0x15: {  	v0 =	vand.u32 $0x7, v2;
	v2 =	vor.u32 $0x8, v2;
	v1 =	vmul.u32 $0x8, v1;
	s11 =	simm.s32 $0x7880;
	[dreg:$0x6] =	wrdreg s26;
	s26 =	simm.s32 $0x3880  }
.LBB2_1:
0x16: {  	s19 =	rddreg [dreg:$0x3]  }
0x17: {  	[tilespmem:s2], [sflag:$0x2] =	stream.linear.gather [hbm4b:s19+s2], $0x40, $0x38;
	[tilespmem:$0x10080] =	vst v63  }
0x18: {  	_ =	swait.ge [sflag:s8], $0x40  }
0x19: {  	[sflag:s8] =	ssyncset.done $0x0  }
0x1a: {  	s0 =	simm.s32 $0x80;
	s1 =	rddreg [dreg:$0x4];
	[sflag:s8] =	ssyncadd.s32 $0xFFFFFFC0  }
0x1b: {  	[tilespmem:s0], [sflag:$0x2] =	stream.linear.gather [hbm4b:s1+s2], $0x10000, $0x38;
	[tilespmem:$0x10080] =	vst v63  }
0x1c: {  	_ =	swait.ge [sflag:s8], $0x10000  }
0x1d: {  	[sflag:s8] =	ssyncset.done $0x0  }
0x1e: {  	[sflag:s8] =	ssyncadd.s32 $0xFFFF0000  }
0x1f: {  	v3 =	vld [tilespmem:$0x0];
	_ =	sdelay $0x4  }
0x20: {  	v4 =	vshll.u32 v3, $0x3  }
0x21: {  	v3 =	vand.u32 $0x7, v3;
	v4 =	vand.u32 $0xFFFFFFC0, v4  }
0x22: {  	v3 =	vor.u32 v3, v4  }
0x23: {  	v4 =	vperm.xlane v3, v0;
	_ =	sdelay $0x1  }
0x24: {  	v4 =	vadd.s32 v1, v4;
	_ =	sdelay $0x4  }
0x25: {  	[hbm4b:s3+s2] =	stream.indirect_vreg.scatter [tilespmem:s0], [sflag:$0x1], $0x80, v4, vm0, $0xb8;
	[tilespmem:$0x10080] =	vst v63  }
0x26: {  	v3 =	vperm.xlane v3, v2  }
0x27: {  	[hbm4b:s4+s2] =	stream.indirect_vreg.scatter [tilespmem:s20], [sflag:$0x1], $0x80, v4, vm0, $0xb8;
	[tilespmem:$0x10080] =	vst v63  }
0x28: {  	v3 =	vadd.s32 v1, v3  }
0x29: {  	[hbm4b:s5+s2] =	stream.indirect_vreg.scatter [tilespmem:s21], [sflag:$0x1], $0x80, v4, vm0, $0xb8;
	[tilespmem:$0x10080] =	vst v63  }
0x2a: {  	_ = 	snop  }
0x2b: {  	[hbm4b:s6+s2] =	stream.indirect_vreg.scatter [tilespmem:s22], [sflag:$0x1], $0x80, v4, vm0, $0xb8;
	[tilespmem:$0x10080] =	vst v63  }
0x2c: {  	_ = 	snop  }
0x2d: {  	[hbm4b:s3+s2] =	stream.indirect_vreg.scatter [tilespmem:s23], [sflag:$0x1], $0x80, v3, vm0, $0xb8;
	[tilespmem:$0x10080] =	vst v63  }
0x2e: {  	_ = 	snop  }
0x2f: {  	[hbm4b:s4+s2] =	stream.indirect_vreg.scatter [tilespmem:s24], [sflag:$0x1], $0x80, v3, vm0, $0xb8;
	[tilespmem:$0x10080] =	vst v63  }
0x30: {  	_ = 	snop  }
0x31: {  	[hbm4b:s5+s2] =	stream.indirect_vreg.scatter [tilespmem:s25], [sflag:$0x1], $0x80, v3, vm0, $0xb8;
	[tilespmem:$0x10080] =	vst v63  }
0x32: {  	_ = 	snop  }
0x33: {  	[hbm4b:s6+s2] =	stream.indirect_vreg.scatter [tilespmem:s26], [sflag:$0x1], $0x80, v3, vm0, $0xb8;
	[tilespmem:$0x10080] =	vst v63  }
0x34: {  	v3 =	vld [tilespmem:$0x10];
	_ =	sdelay $0x4  }
0x35: {  	v57 =	vshll.u32 v3, $0x3  }
0x36: {  	v3 =	vand.u32 $0x7, v3;
	v4 =	vand.u32 $0xFFFFFFC0, v57  }
0x37: {  	v3 =	vor.u32 v3, v4  }
0x38: {  	v4 =	vperm.xlane v3, v0;
	_ =	sdelay $0x1  }
0x39: {  	v4 =	vadd.s32 v1, v4;
	_ =	sdelay $0x4  }
0x3a: {  	[hbm4b:s3+s2] =	stream.indirect_vreg.scatter [tilespmem:s28], [sflag:$0x1], $0x80, v4, vm0, $0xb8;
	[tilespmem:$0x10080] =	vst v63  }
0x3b: {  	v3 =	vperm.xlane v3, v2  }
0x3c: {  	[hbm4b:s4+s2] =	stream.indirect_vreg.scatter [tilespmem:s29], [sflag:$0x1], $0x80, v4, vm0, $0xb8;
	[tilespmem:$0x10080] =	vst v63  }
0x3d: {  	v3 =	vadd.s32 v1, v3  }
0x3e: {  	[hbm4b:s5+s2] =	stream.indirect_vreg.scatter [tilespmem:s30], [sflag:$0x1], $0x80, v4, vm0, $0xb8;
	[tilespmem:$0x10080] =	vst v63  }
0x3f: {  	_ = 	snop  }
0x40: {  	[hbm4b:s6+s2] =	stream.indirect_vreg.scatter [tilespmem:s31], [sflag:$0x1], $0x80, v4, vm0, $0xb8;
	[tilespmem:$0x10080] =	vst v63  }
0x41: {  	s1 =	simm.s32 $0x6080  }
0x42: {  	[hbm4b:s3+s2] =	stream.indirect_vreg.scatter [tilespmem:s1], [sflag:$0x1], $0x80, v3, vm0, $0xb8;
	[tilespmem:$0x10080] =	vst v63  }
0x43: {  	s1 =	simm.s32 $0x6880  }
0x44: {  	[hbm4b:s4+s2] =	stream.indirect_vreg.scatter [tilespmem:s1], [sflag:$0x1], $0x80, v3, vm0, $0xb8;
	[tilespmem:$0x10080] =	vst v63  }
0x45: {  	_ = 	snop  }
0x46: {  	[hbm4b:s5+s2] =	stream.indirect_vreg.scatter [tilespmem:s10], [sflag:$0x1], $0x80, v3, vm0, $0xb8;
	[tilespmem:$0x10080] =	vst v63  }
0x47: {  	_ = 	snop  }
0x48: {  	[hbm4b:s6+s2] =	stream.indirect_vreg.scatter [tilespmem:s11], [sflag:$0x1], $0x80, v3, vm0, $0xb8;
	[tilespmem:$0x10080] =	vst v63  }
0x49: {  	v3 =	vld [tilespmem:$0x20];
	_ =	sdelay $0x4  }
0x4a: {  	v58 =	vshll.u32 v3, $0x3  }
0x4b: {  	v3 =	vand.u32 $0x7, v3;
	v4 =	vand.u32 $0xFFFFFFC0, v58  }
0x4c: {  	v3 =	vor.u32 v3, v4  }
0x4d: {  	v4 =	vperm.xlane v3, v0;
	_ =	sdelay $0x1  }
0x4e: {  	v4 =	vadd.s32 v1, v4;
	_ =	sdelay $0x4  }
0x4f: {  	[hbm4b:s3+s2] =	stream.indirect_vreg.scatter [tilespmem:s12], [sflag:$0x1], $0x80, v4, vm0, $0xb8;
	[tilespmem:$0x10080] =	vst v63  }
0x50: {  	v3 =	vperm.xlane v3, v2  }
0x51: {  	[hbm4b:s4+s2] =	stream.indirect_vreg.scatter [tilespmem:s13], [sflag:$0x1], $0x80, v4, vm0, $0xb8;
	[tilespmem:$0x10080] =	vst v63  }
0x52: {  	v3 =	vadd.s32 v1, v3  }
0x53: {  	[hbm4b:s5+s2] =	stream.indirect_vreg.scatter [tilespmem:s14], [sflag:$0x1], $0x80, v4, vm0, $0xb8;
	[tilespmem:$0x10080] =	vst v63  }
0x54: {  	_ = 	snop  }
0x55: {  	[hbm4b:s6+s2] =	stream.indirect_vreg.scatter [tilespmem:s15], [sflag:$0x1], $0x80, v4, vm0, $0xb8;
	[tilespmem:$0x10080] =	vst v63  }
0x56: {  	_ = 	snop  }
0x57: {  	[hbm4b:s3+s2] =	stream.indirect_vreg.scatter [tilespmem:s16], [sflag:$0x1], $0x80, v3, vm0, $0xb8;
	[tilespmem:$0x10080] =	vst v63  }
0x58: {  	_ = 	snop  }
0x59: {  	[hbm4b:s4+s2] =	stream.indirect_vreg.scatter [tilespmem:s17], [sflag:$0x1], $0x80, v3, vm0, $0xb8;
	[tilespmem:$0x10080] =	vst v63  }
0x5a: {  	_ = 	snop  }
0x5b: {  	[hbm4b:s5+s2] =	stream.indirect_vreg.scatter [tilespmem:s9], [sflag:$0x1], $0x80, v3, vm0, $0xb8;
	[tilespmem:$0x10080] =	vst v63  }
0x5c: {  	s19 =	simm.s32 $0xB880  }
0x5d: {  	[hbm4b:s6+s2] =	stream.indirect_vreg.scatter [tilespmem:s19], [sflag:$0x1], $0x80, v3, vm0, $0xb8;
	[tilespmem:$0x10080] =	vst v63  }
0x5e: {  	v3 =	vld [tilespmem:$0x30];
	_ =	sdelay $0x4  }
0x5f: {  	v59 =	vshll.u32 v3, $0x3  }
0x60: {  	v3 =	vand.u32 $0x7, v3;
	v4 =	vand.u32 $0xFFFFFFC0, v59  }
0x61: {  	v3 =	vor.u32 v3, v4  }
0x62: {  	v4 =	vperm.xlane v3, v0;
	_ =	sdelay $0x1  }
0x63: {  	v4 =	vadd.s32 v1, v4;
	_ =	sdelay $0x3  }
0x64: {  	s19 =	simm.s32 $0xC080  }
0x65: {  	[hbm4b:s3+s2] =	stream.indirect_vreg.scatter [tilespmem:s19], [sflag:$0x1], $0x80, v4, vm0, $0xb8;
	[tilespmem:$0x10080] =	vst v63  }
0x66: {  	v3 =	vperm.xlane v3, v2;
	s19 =	simm.s32 $0xC880  }
0x67: {  	[hbm4b:s4+s2] =	stream.indirect_vreg.scatter [tilespmem:s19], [sflag:$0x1], $0x80, v4, vm0, $0xb8;
	[tilespmem:$0x10080] =	vst v63  }
0x68: {  	v3 =	vadd.s32 v1, v3;
	s19 =	simm.s32 $0xD080  }
0x69: {  	[hbm4b:s5+s2] =	stream.indirect_vreg.scatter [tilespmem:s19], [sflag:$0x1], $0x80, v4, vm0, $0xb8;
	[tilespmem:$0x10080] =	vst v63  }
0x6a: {  	s19 =	simm.s32 $0xD880  }
0x6b: {  	[hbm4b:s6+s2] =	stream.indirect_vreg.scatter [tilespmem:s19], [sflag:$0x1], $0x80, v4, vm0, $0xb8;
	[tilespmem:$0x10080] =	vst v63  }
0x6c: {  	s19 =	simm.s32 $0xE080  }
0x6d: {  	[hbm4b:s3+s2] =	stream.indirect_vreg.scatter [tilespmem:s19], [sflag:$0x1], $0x80, v3, vm0, $0xb8;
	[tilespmem:$0x10080] =	vst v63  }
0x6e: {  	s19 =	simm.s32 $0xE880  }
0x6f: {  	[hbm4b:s4+s2] =	stream.indirect_vreg.scatter [tilespmem:s19], [sflag:$0x1], $0x80, v3, vm0, $0xb8;
	[tilespmem:$0x10080] =	vst v63  }
0x70: {  	s19 =	simm.s32 $0xF080  }
0x71: {  	[hbm4b:s5+s2] =	stream.indirect_vreg.scatter [tilespmem:s19], [sflag:$0x1], $0x80, v3, vm0, $0xb8;
	[tilespmem:$0x10080] =	vst v63  }
0x72: {  	s19 =	simm.s32 $0xF880  }
0x73: {  	[hbm4b:s6+s2] =	stream.indirect_vreg.scatter [tilespmem:s19], [sflag:$0x1], $0x80, v3, vm0, $0xb8;
	[tilespmem:$0x10080] =	vst v63  }
0x74: {  	_ =	swait.ge [sflag:s18], $0x10000  }
0x75: {  	[sflag:s18] =	ssyncset.done $0x0  }
0x76: {  	s19 =	rddreg [dreg:$0x5];
	[sflag:s18] =	ssyncadd.s32 $0xFFFF0000  }
0x77: {  	[tilespmem:s2], [sflag:$0x2] =	stream.linear.gather [hbm4b:s19+s2], $0x40, $0x38;
	[tilespmem:$0x10080] =	vst v63  }
0x78: {  	_ =	swait.ge [sflag:s8], $0x40  }
0x79: {  	[sflag:s8] =	ssyncset.done $0x0  }
0x7a: {  	s19 =	rddreg [dreg:$0x6];
	[sflag:s8] =	ssyncadd.s32 $0xFFFFFFC0  }
0x7b: {  	[tilespmem:s0], [sflag:$0x2] =	stream.linear.gather [hbm4b:s19+s2], $0x10000, $0x38;
	[tilespmem:$0x10080] =	vst v63  }
0x7c: {  	_ =	swait.ge [sflag:s8], $0x10000  }
0x7d: {  	[sflag:s8] =	ssyncset.done $0x0  }
0x7e: {  	[sflag:s8] =	ssyncadd.s32 $0xFFFF0000  }
0x7f: {  	v3 =	vld [tilespmem:$0x0];
	_ =	sdelay $0x4  }
0x80: {  	v60 =	vshll.u32 v3, $0x3  }
0x81: {  	v3 =	vand.u32 $0x7, v3;
	v4 =	vand.u32 $0xFFFFFFC0, v60  }
0x82: {  	v3 =	vor.u32 v3, v4  }
0x83: {  	v4 =	vperm.xlane v3, v0;
	_ =	sdelay $0x1  }
0x84: {  	v4 =	vadd.s32 v1, v4;
	_ =	sdelay $0x4  }
0x85: {  	[hbm4b:s3+s2] =	stream.indirect_vreg.scatter [tilespmem:s0], [sflag:$0x1], $0x80, v4, vm0, $0xb8;
	[tilespmem:$0x10080] =	vst v63  }
0x86: {  	v3 =	vperm.xlane v3, v2  }
0x87: {  	[hbm4b:s4+s2] =	stream.indirect_vreg.scatter [tilespmem:s20], [sflag:$0x1], $0x80, v4, vm0, $0xb8;
	[tilespmem:$0x10080] =	vst v63  }
0x88: {  	v3 =	vadd.s32 v1, v3  }
0x89: {  	[hbm4b:s5+s2] =	stream.indirect_vreg.scatter [tilespmem:s21], [sflag:$0x1], $0x80, v4, vm0, $0xb8;
	[tilespmem:$0x10080] =	vst v63  }
0x8a: {  	_ = 	snop  }
0x8b: {  	[hbm4b:s6+s2] =	stream.indirect_vreg.scatter [tilespmem:s22], [sflag:$0x1], $0x80, v4, vm0, $0xb8;
	[tilespmem:$0x10080] =	vst v63  }
0x8c: {  	_ = 	snop  }
0x8d: {  	[hbm4b:s3+s2] =	stream.indirect_vreg.scatter [tilespmem:s23], [sflag:$0x1], $0x80, v3, vm0, $0xb8;
	[tilespmem:$0x10080] =	vst v63  }
0x8e: {  	_ = 	snop  }
0x8f: {  	[hbm4b:s4+s2] =	stream.indirect_vreg.scatter [tilespmem:s24], [sflag:$0x1], $0x80, v3, vm0, $0xb8;
	[tilespmem:$0x10080] =	vst v63  }
0x90: {  	_ = 	snop  }
0x91: {  	[hbm4b:s5+s2] =	stream.indirect_vreg.scatter [tilespmem:s25], [sflag:$0x1], $0x80, v3, vm0, $0xb8;
	[tilespmem:$0x10080] =	vst v63  }
0x92: {  	_ = 	snop  }
0x93: {  	[hbm4b:s6+s2] =	stream.indirect_vreg.scatter [tilespmem:s26], [sflag:$0x1], $0x80, v3, vm0, $0xb8;
	[tilespmem:$0x10080] =	vst v63  }
0x94: {  	v3 =	vld [tilespmem:$0x10];
	_ =	sdelay $0x4  }
0x95: {  	v61 =	vshll.u32 v3, $0x3  }
0x96: {  	v3 =	vand.u32 $0x7, v3;
	v4 =	vand.u32 $0xFFFFFFC0, v61  }
0x97: {  	v3 =	vor.u32 v3, v4  }
0x98: {  	v4 =	vperm.xlane v3, v0;
	_ =	sdelay $0x1  }
0x99: {  	v4 =	vadd.s32 v1, v4;
	_ =	sdelay $0x4  }
0x9a: {  	[hbm4b:s3+s2] =	stream.indirect_vreg.scatter [tilespmem:s28], [sflag:$0x1], $0x80, v4, vm0, $0xb8;
	[tilespmem:$0x10080] =	vst v63  }
0x9b: {  	v3 =	vperm.xlane v3, v2  }
0x9c: {  	[hbm4b:s4+s2] =	stream.indirect_vreg.scatter [tilespmem:s29], [sflag:$0x1], $0x80, v4, vm0, $0xb8;
	[tilespmem:$0x10080] =	vst v63  }
0x9d: {  	v3 =	vadd.s32 v1, v3  }
0x9e: {  	[hbm4b:s5+s2] =	stream.indirect_vreg.scatter [tilespmem:s30], [sflag:$0x1], $0x80, v4, vm0, $0xb8;
	[tilespmem:$0x10080] =	vst v63  }
0x9f: {  	_ = 	snop  }
0xa0: {  	[hbm4b:s6+s2] =	stream.indirect_vreg.scatter [tilespmem:s31], [sflag:$0x1], $0x80, v4, vm0, $0xb8;
	[tilespmem:$0x10080] =	vst v63  }
0xa1: {  	s19 =	simm.s32 $0x6080  }
0xa2: {  	[hbm4b:s3+s2] =	stream.indirect_vreg.scatter [tilespmem:s19], [sflag:$0x1], $0x80, v3, vm0, $0xb8;
	[tilespmem:$0x10080] =	vst v63  }
0xa3: {  	_ = 	snop  }
0xa4: {  	[hbm4b:s4+s2] =	stream.indirect_vreg.scatter [tilespmem:s1], [sflag:$0x1], $0x80, v3, vm0, $0xb8;
	[tilespmem:$0x10080] =	vst v63  }
0xa5: {  	_ = 	snop  }
0xa6: {  	[hbm4b:s5+s2] =	stream.indirect_vreg.scatter [tilespmem:s10], [sflag:$0x1], $0x80, v3, vm0, $0xb8;
	[tilespmem:$0x10080] =	vst v63  }
0xa7: {  	_ = 	snop  }
0xa8: {  	[hbm4b:s6+s2] =	stream.indirect_vreg.scatter [tilespmem:s11], [sflag:$0x1], $0x80, v3, vm0, $0xb8;
	[tilespmem:$0x10080] =	vst v63  }
0xa9: {  	v3 =	vld [tilespmem:$0x20];
	_ =	sdelay $0x4  }
0xaa: {  	v62 =	vshll.u32 v3, $0x3  }
0xab: {  	v3 =	vand.u32 $0x7, v3;
	v4 =	vand.u32 $0xFFFFFFC0, v62  }
0xac: {  	v3 =	vor.u32 v3, v4  }
0xad: {  	v4 =	vperm.xlane v3, v0;
	_ =	sdelay $0x1  }
0xae: {  	v4 =	vadd.s32 v1, v4;
	_ =	sdelay $0x4  }
0xaf: {  	[hbm4b:s3+s2] =	stream.indirect_vreg.scatter [tilespmem:s12], [sflag:$0x1], $0x80, v4, vm0, $0xb8;
	[tilespmem:$0x10080] =	vst v63  }
0xb0: {  	v3 =	vperm.xlane v3, v2  }
0xb1: {  	[hbm4b:s4+s2] =	stream.indirect_vreg.scatter [tilespmem:s13], [sflag:$0x1], $0x80, v4, vm0, $0xb8;
	[tilespmem:$0x10080] =	vst v63  }
0xb2: {  	v3 =	vadd.s32 v1, v3  }
0xb3: {  	[hbm4b:s5+s2] =	stream.indirect_vreg.scatter [tilespmem:s14], [sflag:$0x1], $0x80, v4, vm0, $0xb8;
	[tilespmem:$0x10080] =	vst v63  }
0xb4: {  	_ = 	snop  }
0xb5: {  	[hbm4b:s6+s2] =	stream.indirect_vreg.scatter [tilespmem:s15], [sflag:$0x1], $0x80, v4, vm0, $0xb8;
	[tilespmem:$0x10080] =	vst v63  }
0xb6: {  	_ = 	snop  }
0xb7: {  	[hbm4b:s3+s2] =	stream.indirect_vreg.scatter [tilespmem:s16], [sflag:$0x1], $0x80, v3, vm0, $0xb8;
	[tilespmem:$0x10080] =	vst v63  }
0xb8: {  	_ = 	snop  }
0xb9: {  	[hbm4b:s4+s2] =	stream.indirect_vreg.scatter [tilespmem:s17], [sflag:$0x1], $0x80, v3, vm0, $0xb8;
	[tilespmem:$0x10080] =	vst v63  }
0xba: {  	_ = 	snop  }
0xbb: {  	[hbm4b:s5+s2] =	stream.indirect_vreg.scatter [tilespmem:s9], [sflag:$0x1], $0x80, v3, vm0, $0xb8;
	[tilespmem:$0x10080] =	vst v63  }
0xbc: {  	s19 =	simm.s32 $0xB880  }
0xbd: {  	[hbm4b:s6+s2] =	stream.indirect_vreg.scatter [tilespmem:s19], [sflag:$0x1], $0x80, v3, vm0, $0xb8;
	[tilespmem:$0x10080] =	vst v63  }
0xbe: {  	v3 =	vld [tilespmem:$0x30];
	_ =	sdelay $0x4  }
0xbf: {  	v63 =	vshll.u32 v3, $0x3  }
0xc0: {  	v3 =	vand.u32 $0x7, v3;
	v4 =	vand.u32 $0xFFFFFFC0, v63  }
0xc1: {  	v3 =	vor.u32 v3, v4  }
0xc2: {  	v4 =	vperm.xlane v3, v0;
	_ =	sdelay $0x1  }
0xc3: {  	v4 =	vadd.s32 v1, v4;
	_ =	sdelay $0x3  }
0xc4: {  	s1 =	simm.s32 $0xC080  }
0xc5: {  	[hbm4b:s3+s2] =	stream.indirect_vreg.scatter [tilespmem:s1], [sflag:$0x1], $0x80, v4, vm0, $0xb8;
	[tilespmem:$0x10080] =	vst v63  }
0xc6: {  	s19 =	simm.s32 $0xC880;
	v3 =	vperm.xlane v3, v2  }
0xc7: {  	[hbm4b:s4+s2] =	stream.indirect_vreg.scatter [tilespmem:s19], [sflag:$0x1], $0x80, v4, vm0, $0xb8;
	[tilespmem:$0x10080] =	vst v63  }
0xc8: {  	v3 =	vadd.s32 v1, v3;
	s1 =	simm.s32 $0xD080  }
0xc9: {  	[hbm4b:s5+s2] =	stream.indirect_vreg.scatter [tilespmem:s1], [sflag:$0x1], $0x80, v4, vm0, $0xb8;
	[tilespmem:$0x10080] =	vst v63  }
0xca: {  	s19 =	simm.s32 $0xD880  }
0xcb: {  	[hbm4b:s6+s2] =	stream.indirect_vreg.scatter [tilespmem:s19], [sflag:$0x1], $0x80, v4, vm0, $0xb8;
	[tilespmem:$0x10080] =	vst v63  }
0xcc: {  	s1 =	simm.s32 $0xE080  }
0xcd: {  	[hbm4b:s3+s2] =	stream.indirect_vreg.scatter [tilespmem:s1], [sflag:$0x1], $0x80, v3, vm0, $0xb8;
	[tilespmem:$0x10080] =	vst v63  }
0xce: {  	s19 =	simm.s32 $0xE880  }
0xcf: {  	[hbm4b:s4+s2] =	stream.indirect_vreg.scatter [tilespmem:s19], [sflag:$0x1], $0x80, v3, vm0, $0xb8;
	[tilespmem:$0x10080] =	vst v63  }
0xd0: {  	p0 =	sne.s32 s7, $0x1;
	s1 =	simm.s32 $0xF080  }
0xd1: {  	[hbm4b:s5+s2] =	stream.indirect_vreg.scatter [tilespmem:s1], [sflag:$0x1], $0x80, v3, vm0, $0xb8;
	[tilespmem:$0x10080] =	vst v63  }
.Ltmp0:
0xd2: {  	s19 =	simm.s32 $0xF880;
	(pc) =	sbr.rel @p0 .LBB2_1-.Ltmp0, $4  }
0xd3: {  	[hbm4b:s6+s2] =	stream.indirect_vreg.scatter [tilespmem:s19], [sflag:$0x1], $0x80, v3, vm0, $0xb8;
	[tilespmem:$0x10080] =	vst v63  }
0xd4: {  	_ =	swait.ge [sflag:s18], $0x10000  }
0xd5: {  	[sflag:s18] =	ssyncset.done $0x0  }
0xd6: {  	s7 =	sadd.s32 $0xFFFFFFFF, s7;
	[sflag:s18] =	ssyncadd.s32 $0xFFFF0000  }
0xd7: {  	_ =	sfence.sel $0x180000  }
0xd8: {  	[bflag:$0x0] =	sbarrier.arrive $0xFFFF  }
0xd9: {  	_ =	strace $0x90000047  }
0xda: {  	s0 =	stileid.u32;
	[bflag:$0x2] =	sbarrier.arrive $0xFFFF  }
0xdb: {  	p0 =	sne.s32 s0, $0x0;
	s0 =	rddreg [dreg:$0x2]  }
0xdc: {  	s0 =	sadd.s32 @!p0 $0x100000, s0  }
0xdd: {  	[sflag:s0] =	ssyncadd.tile.s32 @!p0 $0x1;
	_ =	shalt  }
.Lfunc_end2:
_tile_overlayer_lowered:
.L_overlay_start_2:
0xde: {  	(tag) =	ssettag $0x2  }
0xdf: {  	s0 =	rddreg [dreg:$0x0];
	s2 =	stileid.u32  }
0xe0: {  	s1 =	rddreg [dreg:$0x1];
	p0 =	sne.s32 s2, $0x0  }
0xe1: {  	s3 =	rddreg [dreg:$0x2];
	[bflag:$0x3] =	sbarrier.arrive $0xFFFF;
	s2 =	simm.s32 @!p0 $0x1C02  }
0xe2: {  	[timem:s3], [sflag:s2] =	dma.local @!p0 [hbm:s0], s1  }
0xe3: {  	s0 =	simm.s32 @!p0 $0x2  }
0xe4: {  	_ =	swait.ge @!p0 [sflag:s0], s1  }
0xe5: {  	s1 =	ssub.s32 @!p0 $0x0, s1;
	[sflag:s0] =	ssyncset.done @!p0 $0x0  }
0xe6: {  	[sflag:s0] =	ssyncadd.s32 @!p0 s1  }
0xe7: {  	[bflag:$0x3] =	sbarrier.arrive $0xFFFF  }
0xe8: {  	_ =	shalt  }

</sc_bundles>
